<compile_context>
chip_gen: v7x
topology: tpu7x:2x2x1
jax: 0.10.2.dev20260603
libtpu: 0.0.44.dev20260713+nightly
codegen_flags: <defaults>
</compile_context>

<pallas_src>
import functools

import jax
import jax.numpy as jnp
from jax import lax
from jax.experimental import pallas as pl
from jax.experimental.pallas import tpu as pltpu
from jax.experimental.pallas import tpu_sc as plsc

B = 32
EMB = 32
N_UID = 1000000
TOPK = 50000.0
RQ = 10000
NB = (N_UID // 4) // RQ
K1 = 12
K2 = 8

_P1 = (0.15, 0.3, 0.45, 0.6, 0.75, 0.9,
       1.05, 1.2, 1.35, 1.5, 1.9, 2.3)


def _key4(xr, w, tbl):
    qt = lax.dot_general(w, xr, (((1,), (1,)), ((), ())),
                         preferred_element_type=jnp.float32)
    qt4 = jnp.tile(qt, (4, 4))
    r = lax.broadcasted_iota(jnp.int32, (128, 128), 0)
    c = lax.broadcasted_iota(jnp.int32, (128, 128), 1)
    qtb = jnp.where((r // 32) == (c // 32), qt4, 0.0)
    s4 = lax.dot_general(tbl, qtb, (((1,), (0,)), ((), ())),
                         preferred_element_type=jnp.float32)
    return jnp.abs(s4 - 1.0)


def _bracket_step(T, C):
    below = (C < TOPK).astype(jnp.float32)
    nbv = jnp.sum(below, axis=0, keepdims=True)
    kidx = lax.broadcasted_iota(jnp.int32, T.shape, 0).astype(jnp.float32)
    wlo = (kidx == (nbv - 1.0)).astype(jnp.float32)
    whi = (kidx == nbv).astype(jnp.float32)
    lo = jnp.sum(T * wlo, axis=0, keepdims=True)
    clo = jnp.sum(C * wlo, axis=0, keepdims=True)
    hi = jnp.sum(T * whi, axis=0, keepdims=True)
    chi = jnp.sum(C * whi, axis=0, keepdims=True)
    return lo, clo, hi, chi


def _grpsum(xkk):
    parts = [xkk[:, 32 * g:32 * g + 32] for g in range(4)]
    s = (parts[0] + parts[1]) + (parts[2] + parts[3])
    return jnp.concatenate([s, s, s, s], axis=1)


def _grpmax(row):
    parts = [row[:, 32 * g:32 * g + 32] for g in range(4)]
    m = jnp.maximum(jnp.maximum(parts[0], parts[1]),
                    jnp.maximum(parts[2], parts[3]))
    return jnp.concatenate([m, m, m, m], axis=1)


def _count_rows(key, thr_ref, K):
    rows = [jnp.sum((key <= thr_ref[k:k + 1, :]).astype(jnp.float32),
                    axis=0, keepdims=True) for k in range(K)]
    return jnp.concatenate(rows, axis=0)


def _mega_body(xr_ref, w_ref, thr1_ref, aux_ref, rows4_ref, tbl_ref, out_ref,
               thr_s, st_s, cnt_s, acc_s, gap_s):
    p = pl.program_id(0)
    i = pl.program_id(1)
    nb = pl.num_programs(1)
    key = _key4(xr_ref[...], w_ref[...], tbl_ref[...])
    ramp8 = (lax.broadcasted_iota(jnp.int32, (K2, 128), 0)
             .astype(jnp.float32) + 1.0) * (1.0 / (K2 + 1.0))

    @pl.when(i == 0)
    def _():
        cnt_s[...] = jnp.zeros_like(cnt_s)

    @pl.when(jnp.logical_and(p == 0, i == 0))
    def _():
        st_s[...] = jnp.zeros_like(st_s)

    @pl.when(p == 0)
    def _():
        cnt_s[...] = cnt_s[...] + _count_rows(key, thr1_ref, K1)
        st_s[5:6, :] = jnp.maximum(st_s[5:6, :],
                                   jnp.max(key, axis=0, keepdims=True))

        @pl.when(i == nb - 1)
        def _():
            z = jnp.zeros((1, 128), jnp.float32)
            T = jnp.concatenate([z, thr1_ref[...], _grpmax(st_s[5:6, :])],
                                axis=0)
            C = jnp.concatenate([z, _grpsum(cnt_s[...]),
                                 jnp.full((1, 128), float(N_UID),
                                          jnp.float32)], axis=0)
            lo, clo, hi, chi = _bracket_step(T, C)
            st_s[0:1, :] = lo
            st_s[1:2, :] = hi
            st_s[2:3, :] = clo
            st_s[3:4, :] = chi
            thr_s[...] = lo + (hi - lo) * ramp8

    @pl.when(jnp.logical_or(p == 1, p == 2))
    def _():
        cnt_s[0:K2, :] = cnt_s[0:K2, :] + _count_rows(key, thr_s, K2)

        @pl.when(i == nb - 1)
        def _():
            T = jnp.concatenate([st_s[0:1, :], thr_s[...], st_s[1:2, :]],
                                axis=0)
            C = jnp.concatenate([st_s[2:3, :], _grpsum(cnt_s[0:K2, :]),
                                 st_s[3:4, :]], axis=0)
            lo, clo, hi, chi = _bracket_step(T, C)
            st_s[0:1, :] = lo
            st_s[1:2, :] = hi
            st_s[2:3, :] = clo
            st_s[3:4, :] = chi
            thr_s[...] = lo + (hi - lo) * ramp8

    @pl.when(p == 3)
    def _():
        @pl.when(i == 0)
        def _():
            acc_s[...] = jnp.zeros_like(acc_s)
            gap_s[...] = jnp.zeros_like(gap_s)

        mlo = (key <= st_s[0:1, :]).astype(jnp.float32)
        mhi = (key <= st_s[1:2, :]).astype(jnp.float32)
        mgap = mhi - mlo
        tbl = tbl_ref[...]
        acc_s[...] = acc_s[...] + lax.dot_general(
            mlo, tbl, (((0,), (0,)), ((), ())),
            preferred_element_type=jnp.float32)
        gap_s[...] = gap_s[...] + lax.dot_general(
            mgap, tbl, (((0,), (0,)), ((), ())),
            preferred_element_type=jnp.float32)

        @pl.when(i == nb - 1)
        def _():
            fr_row = (TOPK - st_s[2:3, :]) \
                / jnp.maximum(st_s[3:4, :] - st_s[2:3, :], 1.0)
            r = lax.broadcasted_iota(jnp.int32, (128, 128), 0)
            c = lax.broadcasted_iota(jnp.int32, (128, 128), 1)
            eye = (r == c).astype(jnp.float32)
            fr_col = lax.dot_general(eye, fr_row, (((1,), (1,)), ((), ())),
                                     preferred_element_type=jnp.float32)
            tot128 = acc_s[...] + fr_col * gap_s[...]
            tot = jnp.zeros((B, EMB), jnp.float32)
            for g in range(4):
                sl = slice(32 * g, 32 * g + 32)
                tot = tot + tot128[sl, sl]
            outc = jnp.zeros((B, 1), jnp.float32)
            for m in range(4):
                pr = jnp.sum(tot * rows4_ref[:, 32 * m:32 * m + 32],
                             axis=1, keepdims=True)
                outc = outc + aux_ref[:, 1 + m:2 + m] * pr
            out_ref[...] = jnp.broadcast_to(outc * (1.0 / TOPK),
                                            out_ref.shape)


def _mega_pass(xr, w, thr1, aux, rows4, tbl4):
    return pl.pallas_call(
        _mega_body,
        grid=(4, NB),
        in_specs=[
            pl.BlockSpec((B, EMB), lambda p, i: (0, 0)),
            pl.BlockSpec((EMB, EMB), lambda p, i: (0, 0)),
            pl.BlockSpec((K1, 128), lambda p, i: (0, 0)),
            pl.BlockSpec((B, 8), lambda p, i: (0, 0)),
            pl.BlockSpec((B, 128), lambda p, i: (0, 0)),
            pl.BlockSpec((RQ, 128), lambda p, i: (i, 0)),
        ],
        out_specs=pl.BlockSpec((B, 8), lambda p, i: (0, 0)),
        out_shape=jax.ShapeDtypeStruct((B, 8), jnp.float32),
        scratch_shapes=[
            pltpu.VMEM((K2, 128), jnp.float32),
            pltpu.VMEM((8, 128), jnp.float32),
            pltpu.VMEM((K1, 128), jnp.float32),
            pltpu.VMEM((128, 128), jnp.float32),
            pltpu.VMEM((128, 128), jnp.float32),
        ],
    )(xr, w, thr1, aux, rows4, tbl4)


def _sc_gather(pidx, table4):
    mesh = plsc.VectorSubcoreMesh(core_axis_name="c", subcore_axis_name="s")

    @functools.partial(
        pl.kernel,
        mesh=mesh,
        out_type=jax.ShapeDtypeStruct((B, 128), jnp.float32),
        scratch_types=[
            pltpu.VMEM((B,), jnp.int32),
            pltpu.VMEM((B, 128), jnp.float32),
            pltpu.SemaphoreType.DMA,
        ],
    )
    def k(idx_hbm, tbl_hbm, out_hbm, idx_v, rows_v, sem):
        wid = lax.axis_index("s") * 2 + lax.axis_index("c")

        @pl.when(wid == 0)
        def _():
            pltpu.sync_copy(idx_hbm, idx_v)
            pltpu.async_copy(tbl_hbm.at[idx_v], rows_v, sem).wait()
            pltpu.sync_copy(rows_v, out_hbm)

    return k(pidx, table4)


def kernel(x, tgt_uid_table, tgt_iid_table, W_rp):
    iid = x[:, 0].astype(jnp.int32)
    xr = x[:, 1:EMB + 1]
    tbl4 = tgt_uid_table.reshape(N_UID // 4, 128)
    itbl4 = tgt_iid_table.reshape(-1, 128)

    rows4 = _sc_gather(iid // 4, itbl4)
    sel = (iid % 4)[:, None] == jnp.arange(4)[None, :]

    t1 = jnp.asarray(_P1, jnp.float32)
    thr1 = jnp.tile(jnp.broadcast_to(t1[:, None], (K1, B)), (1, 4))
    aux = jnp.zeros((B, 8), jnp.float32)
    aux = aux.at[:, 1:5].set(sel.astype(jnp.float32))

    out32 = _mega_pass(xr, W_rp, thr1, aux, rows4, tbl4)
    return out32[:, 0]

# --- scband reference (transcript-rebuilt; emitter-appended) ---
"""Pipeline reference for scband-mfbased-model-84653805404333 (READ-ONLY COPY).

The authoritative reference and input builder live on the scoring server;
editing this copy changes nothing except your own understanding.
"""

import jax, jax.numpy as jnp
import numpy as np

UID_TGT = 1000000
IID_TGT = 100000
EMB_DIM = 32
B = 32
TOPK = 50000
TARGET_LABEL = 1.0


def setup_inputs(seed: int = 0) -> dict:
    key = jax.random.key(seed)
    k1, k2, k3, k4, k5 = jax.random.split(key, 5)
    # x[:, 0] holds item ids stored as floats (cast to int inside forward),
    # x[:, 1:EMB_DIM+1] holds the source-domain rating-prediction vector.
    iid = jax.random.randint(k1, (B,), 0, IID_TGT).astype(jnp.float32)
    rate = jax.random.normal(k2, (B, EMB_DIM), dtype=jnp.float32)
    x = jnp.concatenate([iid[:, None], rate], axis=1)
    # learned parameters (stage == 'test_source_free' path)
    tgt_uid_table = jax.random.normal(k3, (UID_TGT, EMB_DIM), dtype=jnp.float32) * 0.02
    tgt_iid_table = jax.random.normal(k4, (IID_TGT, EMB_DIM), dtype=jnp.float32) * 0.02
    W_rp = jax.random.normal(k5, (EMB_DIM, EMB_DIM), dtype=jnp.float32) * (1.0 / np.sqrt(EMB_DIM))
    return {"x": x, "tgt_uid_table": tgt_uid_table, "tgt_iid_table": tgt_iid_table, "W_rp": W_rp}


def reference(x, tgt_uid_table, tgt_iid_table, W_rp):
    # MFBasedModel.forward(x, stage='test_source_free')
    iid = jax.lax.stop_gradient(x[:, 0]).astype(jnp.int32)
    iid_emb = jnp.take(tgt_iid_table, iid, axis=0)[:, None, :]  # [B, 1, D]
    src_rate_pre = x[:, 1:EMB_DIM + 1]
    src_rate_pre = src_rate_pre @ W_rp.T  # rp_mapping (no bias)
    # predict_rate: [UID_TGT, B]
    predict_rate = tgt_uid_table @ src_rate_pre.T - TARGET_LABEL
    predict_rate = jnp.abs(predict_rate)
    indices = jnp.argsort(predict_rate, axis=0)  # sort ascending along users
    topk_indices = indices[:TOPK, :]  # [TOPK, B]
    topk_indices = topk_indices.T.reshape(-1)  # [B*TOPK]
    topk_uid_emb = jnp.take(tgt_uid_table, topk_indices, axis=0).reshape(B, TOPK, EMB_DIM)
    voted_rating = jnp.sum(topk_uid_emb * iid_emb, axis=2)  # [B, TOPK]
    mean_rating = jnp.mean(voted_rating, axis=1)  # [B]
    return mean_rating

if __name__ == "__main__":
    import jax
    _d = setup_inputs()
    print(jax.jit(kernel)(*tuple(_d.values())))

</pallas_src>

<mosaic_0001>
#map = affine_map<(d0, d1) -> (0)>
#map1 = affine_map<(d0, d1) -> (0, 0)>
module attributes {stable_mosaic.version = 14 : i64} {
  func.func @k(%arg0: i32, %arg1: i32, %arg2: memref<32xi32, #tpu.memory_space<hbm>>, %arg3: memref<25000x128xf32, #tpu.memory_space<hbm>>, %arg4: memref<32x128xf32, #tpu.memory_space<hbm>>, %arg5: memref<32xi32, #tpu.memory_space<vmem>>, %arg6: memref<32x128xf32, #tpu.memory_space<vmem>>, %arg7: memref<!tpu.dma_semaphore, #tpu.memory_space<semaphore_mem>>) attributes {dimension_semantics = [#tpu.dimension_semantics<core_parallel>, #tpu.dimension_semantics<subcore_parallel>], iteration_bounds = array<i64: 2, 16>, scalar_prefetch = 0 : i64, scratch_operands = 3 : i64, tpu.core_type = #tpu.core_type<sc_vector_subcore>, window_params = [{transform_indices = #map}, {transform_indices = #map1}, {transform_indices = #map1}]} {
    %mul3A = arith.constant 2 : i32
    %mul3A_0 = arith.muli %arg1, %mul3A : i32
    %add3A = arith.addi %mul3A_0, %arg0 : i32
    %eq3A = arith.constant 0 : i32
    %eq3A_1 = arith.cmpi eq, %add3A, %eq3A : i32
    %convert_element_type3A = arith.extui %eq3A_1 : i1 to i32
    %cond3A = arith.constant 0 : i32
    %cond3A_2 = arith.cmpi ne, %convert_element_type3A, %cond3A : i32
    scf.if %cond3A_2 {
      "tpu.region"() ({
        %run_scoped3A = tpu.sem_alloc : memref<!tpu.dma_semaphore, #tpu.memory_space<semaphore_mem>>
        tpu.enqueue_dma source(%arg2 : memref<32xi32, #tpu.memory_space<hbm>>) target(%arg5 : memref<32xi32, #tpu.memory_space<vmem>>) target_semaphore(%run_scoped3A : memref<!tpu.dma_semaphore, #tpu.memory_space<semaphore_mem>>)
        tpu.wait_dma2 semaphore(%run_scoped3A : memref<!tpu.dma_semaphore, #tpu.memory_space<semaphore_mem>>) src(%arg2 : memref<32xi32, #tpu.memory_space<hbm>>) dst(%arg5 : memref<32xi32, #tpu.memory_space<vmem>>)
        tpu.yield
      }) : () -> ()
      %dma_start3A = arith.constant 0 : i32
      %dma_start3A_3 = arith.constant 0 : i32
      %dma_start3A_4 = tpu.memref_slice %arg3[%dma_start3A, %dma_start3A_3] : memref<25000x128xf32, #tpu.memory_space<hbm>> -> memref<25000x128xf32, #tpu.memory_space<hbm>>
      tpu.enqueue_indirect_dma source(%dma_start3A_4 : memref<25000x128xf32, #tpu.memory_space<hbm>>) target(%arg6 : memref<32x128xf32, #tpu.memory_space<vmem>>) offsets(%arg5 : memref<32xi32, #tpu.memory_space<vmem>>) semaphore(%arg7 : memref<!tpu.dma_semaphore, #tpu.memory_space<semaphore_mem>>)
      %dma_wait3A = arith.constant 0 : i32
      %dma_wait3A_5 = arith.constant 0 : i32
      %dma_wait3A_6 = tpu.memref_slice %arg3[%dma_wait3A, %dma_wait3A_5] : memref<25000x128xf32, #tpu.memory_space<hbm>> -> memref<25000x128xf32, #tpu.memory_space<hbm>>
      tpu.wait_indirect_dma semaphore(%arg7 : memref<!tpu.dma_semaphore, #tpu.memory_space<semaphore_mem>>) src(%dma_wait3A_6 : memref<25000x128xf32, #tpu.memory_space<hbm>>) dst(%arg6 : memref<32x128xf32, #tpu.memory_space<vmem>>)
      "tpu.region"() ({
        %run_scoped3A = tpu.sem_alloc : memref<!tpu.dma_semaphore, #tpu.memory_space<semaphore_mem>>
        tpu.enqueue_dma source(%arg6 : memref<32x128xf32, #tpu.memory_space<vmem>>) target(%arg4 : memref<32x128xf32, #tpu.memory_space<hbm>>) target_semaphore(%run_scoped3A : memref<!tpu.dma_semaphore, #tpu.memory_space<semaphore_mem>>)
        tpu.wait_dma2 semaphore(%run_scoped3A : memref<!tpu.dma_semaphore, #tpu.memory_space<semaphore_mem>>) src(%arg6 : memref<32x128xf32, #tpu.memory_space<vmem>>) dst(%arg4 : memref<32x128xf32, #tpu.memory_space<hbm>>)
        tpu.yield
      }) : () -> ()
    } else {
    }
    return
  }
}

module attributes {stable_mosaic.version = 14 : i64} {
  func.func @_mega_body(%arg0: i32, %arg1: i32, %arg2: memref<32x32xf32, #tpu.memory_space<vmem>>, %arg3: memref<32x32xf32, #tpu.memory_space<vmem>>, %arg4: memref<12x128xf32, #tpu.memory_space<vmem>>, %arg5: memref<32x8xf32, #tpu.memory_space<vmem>>, %arg6: memref<32x128xf32, #tpu.memory_space<vmem>>, %arg7: memref<10000x128xf32, #tpu.memory_space<vmem>>, %arg8: memref<32x8xf32, #tpu.memory_space<vmem>>, %arg9: memref<8x128xf32, #tpu.memory_space<vmem>>, %arg10: memref<8x128xf32, #tpu.memory_space<vmem>>, %arg11: memref<12x128xf32, #tpu.memory_space<vmem>>, %arg12: memref<128x128xf32, #tpu.memory_space<vmem>>, %arg13: memref<128x128xf32, #tpu.memory_space<vmem>>) attributes {dimension_semantics = [#tpu.dimension_semantics<arbitrary>, #tpu.dimension_semantics<arbitrary>], iteration_bounds = array<i64: 4, 25>, scalar_prefetch = 0 : i64, scratch_operands = 5 : i64, tpu.core_type = #tpu.core_type<tc>, window_params = [{pipeline_mode = #tpu.pipeline_mode<synchronous>, transform_indices = @transform_0, window_bounds = array<i64: 32, 32>}, {pipeline_mode = #tpu.pipeline_mode<synchronous>, transform_indices = @transform_1, window_bounds = array<i64: 32, 32>}, {pipeline_mode = #tpu.pipeline_mode<synchronous>, transform_indices = @transform_2, window_bounds = array<i64: 12, 128>}, {pipeline_mode = #tpu.pipeline_mode<synchronous>, transform_indices = @transform_3, window_bounds = array<i64: 32, 8>}, {pipeline_mode = #tpu.pipeline_mode<synchronous>, transform_indices = @transform_4, window_bounds = array<i64: 32, 128>}, {transform_indices = @transform_5, window_bounds = array<i64: 10000, 128>}, {pipeline_mode = #tpu.pipeline_mode<synchronous>, transform_indices = @transform_6, window_bounds = array<i64: 32, 8>}]} {
    %get3A = arith.constant 0 : index
    %get3A_0 = arith.constant 0 : index
    %get3A_1 = vector.load %arg2[%get3A, %get3A_0] : memref<32x32xf32, #tpu.memory_space<vmem>>, vector<32x32xf32>
    %get3A_2 = arith.constant 0 : index
    %get3A_3 = arith.constant 0 : index
    %get3A_4 = vector.load %arg3[%get3A_2, %get3A_3] : memref<32x32xf32, #tpu.memory_space<vmem>>, vector<32x32xf32>
    %get3A_5 = arith.constant 0 : index
    %get3A_6 = arith.constant 0 : index
    %get3A_7 = vector.load %arg7[%get3A_5, %get3A_6] : memref<10000x128xf32, #tpu.memory_space<vmem>>, vector<10000x128xf32>
    %dot_general3A = arith.constant dense<0.000000e+00> : vector<32x32xf32>
    %dot_general3A_8 = tpu.matmul %get3A_4, %get3A_1, %dot_general3A {dimension_numbers = #tpu.dot_dimension_numbers<[1], [1], [0], [0], [0, 0, 1, 0], [], []>, transpose_lhs_hint = false} : vector<32x32xf32>, vector<32x32xf32>, vector<32x32xf32> -> vector<32x32xf32>
    %tile3A = tpu.concatenate %dot_general3A_8, %dot_general3A_8, %dot_general3A_8, %dot_general3A_8 in 0 : vector<32x32xf32>, vector<32x32xf32>, vector<32x32xf32>, vector<32x32xf32> -> vector<128x32xf32>
    %tile3A_9 = tpu.concatenate %tile3A, %tile3A, %tile3A, %tile3A in 1 : vector<128x32xf32>, vector<128x32xf32>, vector<128x32xf32>, vector<128x32xf32> -> vector<128x128xf32>
    %iota3A = tpu.iota {dimensions = array<i32: 0>} : vector<128x128xi32>
    %iota3A_10 = tpu.iota {dimensions = array<i32: 1>} : vector<128x128xi32>
    %jit3A = arith.constant 32 : i32
    %div3A = vector.broadcast %jit3A : i32 to vector<128x128xi32>
    %div3A_11 = arith.divsi %iota3A, %div3A : vector<128x128xi32>
    %sign3A = arith.constant 0 : i32
    %sign3A_12 = vector.broadcast %sign3A : i32 to vector<128x128xi32>
    %sign3A_13 = arith.cmpi sgt, %iota3A, %sign3A_12 : vector<128x128xi32>
    %sign3A_14 = arith.extui %sign3A_13 : vector<128x128xi1> to vector<128x128xi32>
    %sign3A_15 = arith.constant 0 : i32
    %sign3A_16 = vector.broadcast %sign3A_15 : i32 to vector<128x128xi32>
    %sign3A_17 = arith.cmpi slt, %iota3A, %sign3A_16 : vector<128x128xi32>
    %sign3A_18 = arith.extui %sign3A_17 : vector<128x128xi1> to vector<128x128xi32>
    %sign3A_19 = arith.subi %sign3A_14, %sign3A_18 : vector<128x128xi32>
    %sign3A_20 = arith.constant 0 : i32
    %sign3A_21 = arith.cmpi sgt, %jit3A, %sign3A_20 : i32
    %sign3A_22 = arith.extui %sign3A_21 : i1 to i32
    %sign3A_23 = arith.constant 0 : i32
    %sign3A_24 = arith.cmpi slt, %jit3A, %sign3A_23 : i32
    %sign3A_25 = arith.extui %sign3A_24 : i1 to i32
    %sign3A_26 = arith.subi %sign3A_22, %sign3A_25 : i32
    %ne3A = vector.broadcast %sign3A_26 : i32 to vector<128x128xi32>
    %ne3A_27 = arith.cmpi ne, %sign3A_19, %ne3A : vector<128x128xi32>
    %rem3A = vector.broadcast %jit3A : i32 to vector<128x128xi32>
    %rem3A_28 = arith.remsi %iota3A, %rem3A : vector<128x128xi32>
    %ne3A_29 = arith.constant 0 : i32
    %ne3A_30 = vector.broadcast %ne3A_29 : i32 to vector<128x128xi32>
    %ne3A_31 = arith.cmpi ne, %rem3A_28, %ne3A_30 : vector<128x128xi32>
    %and3A = arith.andi %ne3A_27, %ne3A_31 : vector<128x128xi1>
    %sub3A = arith.constant 1 : i32
    %sub3A_32 = vector.broadcast %sub3A : i32 to vector<128x128xi32>
    %sub3A_33 = arith.subi %div3A_11, %sub3A_32 : vector<128x128xi32>
    %select_n3A = arith.select %and3A, %sub3A_33, %div3A_11 : vector<128x128xi1>, vector<128x128xi32>
    %jit3A_34 = arith.constant 32 : i32
    %div3A_35 = vector.broadcast %jit3A_34 : i32 to vector<128x128xi32>
    %div3A_36 = arith.divsi %iota3A_10, %div3A_35 : vector<128x128xi32>
    %sign3A_37 = arith.constant 0 : i32
    %sign3A_38 = vector.broadcast %sign3A_37 : i32 to vector<128x128xi32>
    %sign3A_39 = arith.cmpi sgt, %iota3A_10, %sign3A_38 : vector<128x128xi32>
    %sign3A_40 = arith.extui %sign3A_39 : vector<128x128xi1> to vector<128x128xi32>
    %sign3A_41 = arith.constant 0 : i32
    %sign3A_42 = vector.broadcast %sign3A_41 : i32 to vector<128x128xi32>
    %sign3A_43 = arith.cmpi slt, %iota3A_10, %sign3A_42 : vector<128x128xi32>
    %sign3A_44 = arith.extui %sign3A_43 : vector<128x128xi1> to vector<128x128xi32>
    %sign3A_45 = arith.subi %sign3A_40, %sign3A_44 : vector<128x128xi32>
    %sign3A_46 = arith.constant 0 : i32
    %sign3A_47 = arith.cmpi sgt, %jit3A_34, %sign3A_46 : i32
    %sign3A_48 = arith.extui %sign3A_47 : i1 to i32
    %sign3A_49 = arith.constant 0 : i32
    %sign3A_50 = arith.cmpi slt, %jit3A_34, %sign3A_49 : i32
    %sign3A_51 = arith.extui %sign3A_50 : i1 to i32
    %sign3A_52 = arith.subi %sign3A_48, %sign3A_51 : i32
    %ne3A_53 = vector.broadcast %sign3A_52 : i32 to vector<128x128xi32>
    %ne3A_54 = arith.cmpi ne, %sign3A_45, %ne3A_53 : vector<128x128xi32>
    %rem3A_55 = vector.broadcast %jit3A_34 : i32 to vector<128x128xi32>
    %rem3A_56 = arith.remsi %iota3A_10, %rem3A_55 : vector<128x128xi32>
    %ne3A_57 = arith.constant 0 : i32
    %ne3A_58 = vector.broadcast %ne3A_57 : i32 to vector<128x128xi32>
    %ne3A_59 = arith.cmpi ne, %rem3A_56, %ne3A_58 : vector<128x128xi32>
    %and3A_60 = arith.andi %ne3A_54, %ne3A_59 : vector<128x128xi1>
    %sub3A_61 = arith.constant 1 : i32
    %sub3A_62 = vector.broadcast %sub3A_61 : i32 to vector<128x128xi32>
    %sub3A_63 = arith.subi %div3A_36, %sub3A_62 : vector<128x128xi32>
    %select_n3A_64 = arith.select %and3A_60, %sub3A_63, %div3A_36 : vector<128x128xi1>, vector<128x128xi32>
    %eq3A = arith.cmpi eq, %select_n3A, %select_n3A_64 : vector<128x128xi32>
    %jit3A_65 = arith.constant 0.000000e+00 : f32
    %broadcast_in_dim3A = vector.broadcast %jit3A_65 : f32 to vector<128x128xf32>
    %select_n3A_66 = arith.select %eq3A, %tile3A_9, %broadcast_in_dim3A : vector<128x128xi1>, vector<128x128xf32>
    %dot_general3A_67 = arith.constant dense<0.000000e+00> : vector<10000x128xf32>
    %dot_general3A_68 = tpu.matmul %get3A_7, %select_n3A_66, %dot_general3A_67 {dimension_numbers = #tpu.dot_dimension_numbers<[1], [0], [0], [1], [0, 0, 1, 1], [], []>, transpose_lhs_hint = false} : vector<10000x128xf32>, vector<128x128xf32>, vector<10000x128xf32> -> vector<10000x128xf32>
    %sub3A_69 = arith.constant 1.000000e+00 : f32
    %sub3A_70 = vector.broadcast %sub3A_69 : f32 to vector<10000x128xf32>
    %sub3A_71 = arith.subf %dot_general3A_68, %sub3A_70 : vector<10000x128xf32>
    %abs3A = math.absf %sub3A_71 : vector<10000x128xf32>
    %iota3A_72 = tpu.iota {dimensions = array<i32: 0>} : vector<8x128xi32>
    %convert_element_type3A = arith.sitofp %iota3A_72 : vector<8x128xi32> to vector<8x128xf32>
    %add3A = arith.constant 1.000000e+00 : f32
    %add3A_73 = vector.broadcast %add3A : f32 to vector<8x128xf32>
    %add3A_74 = arith.addf %convert_element_type3A, %add3A_73 : vector<8x128xf32>
    %mul3A = arith.constant 0.111111112 : f32
    %mul3A_75 = vector.broadcast %mul3A : f32 to vector<8x128xf32>
    %mul3A_76 = arith.mulf %add3A_74, %mul3A_75 : vector<8x128xf32>
    %eq3A_77 = arith.constant 0 : i32
    %eq3A_78 = arith.cmpi eq, %arg1, %eq3A_77 : i32
    %convert_element_type3A_79 = arith.extui %eq3A_78 : i1 to i32
    %cond3A = arith.constant 0 : i32
    %cond3A_80 = arith.cmpi ne, %convert_element_type3A_79, %cond3A : i32
    scf.if %cond3A_80 {
      %broadcast_in_dim3A_106 = arith.constant 0.000000e+00 : f32
      %broadcast_in_dim3A_107 = vector.broadcast %broadcast_in_dim3A_106 : f32 to vector<12x128xf32>
      %swap3A = arith.constant 0 : index
      %swap3A_108 = arith.constant 0 : index
      %swap3A_109 = vector.load %arg11[%swap3A, %swap3A_108] : memref<12x128xf32, #tpu.memory_space<vmem>>, vector<12x128xf32>
      tpu.vector_store %arg11[%swap3A, %swap3A_108], %broadcast_in_dim3A_107 {strides = array<i32>} : memref<12x128xf32, #tpu.memory_space<vmem>>, vector<12x128xf32>,
    } else {
    }
    %eq3A_81 = arith.constant 0 : i32
    %eq3A_82 = arith.cmpi eq, %arg0, %eq3A_81 : i32
    %eq3A_83 = arith.constant 0 : i32
    %eq3A_84 = arith.cmpi eq, %arg1, %eq3A_83 : i32
    %and3A_85 = arith.andi %eq3A_82, %eq3A_84 : i1
    %convert_element_type3A_86 = arith.extui %and3A_85 : i1 to i32
    %cond3A_87 = arith.constant 0 : i32
    %cond3A_88 = arith.cmpi ne, %convert_element_type3A_86, %cond3A_87 : i32
    scf.if %cond3A_88 {
      %broadcast_in_dim3A_106 = arith.constant 0.000000e+00 : f32
      %broadcast_in_dim3A_107 = vector.broadcast %broadcast_in_dim3A_106 : f32 to vector<8x128xf32>
      %swap3A = arith.constant 0 : index
      %swap3A_108 = arith.constant 0 : index
      %swap3A_109 = vector.load %arg10[%swap3A, %swap3A_108] : memref<8x128xf32, #tpu.memory_space<vmem>>, vector<8x128xf32>
      tpu.vector_store %arg10[%swap3A, %swap3A_108], %broadcast_in_dim3A_107 {strides = array<i32>} : memref<8x128xf32, #tpu.memory_space<vmem>>, vector<8x128xf32>,
    } else {
    }
    %eq3A_89 = arith.constant 0 : i32
    %eq3A_90 = arith.cmpi eq, %arg0, %eq3A_89 : i32
    %convert_element_type3A_91 = arith.extui %eq3A_90 : i1 to i32
    %cond3A_92 = arith.constant 0 : i32
    %cond3A_93 = arith.cmpi ne, %convert_element_type3A_91, %cond3A_92 : i32
    scf.if %cond3A_93 {
      %get3A_106 = arith.constant 0 : index
      %get3A_107 = arith.constant 0 : index
      %get3A_108 = vector.load %arg11[%get3A_106, %get3A_107] : memref<12x128xf32, #tpu.memory_space<vmem>>, vector<12x128xf32>
      %get3A_109 = arith.constant 0 : index
      %get3A_110 = arith.constant 0 : index
      %get3A_111 = vector.load %arg4[%get3A_109, %get3A_110] : memref<12x128xf32, #tpu.memory_space<vmem>>, vector<1x128xf32>
      %le3A = vector.broadcast %get3A_111 : vector<1x128xf32> to vector<10000x128xf32>
      %le3A_112 = arith.cmpf ole, %abs3A, %le3A : vector<10000x128xf32>
      %convert_element_type3A_113 = arith.extui %le3A_112 : vector<10000x128xi1> to vector<10000x128xi32>
      %convert_element_type3A_114 = arith.sitofp %convert_element_type3A_113 : vector<10000x128xi32> to vector<10000x128xf32>
      %reduce_sum3A = arith.constant dense<0.000000e+00> : vector<128xf32>
      %reduce_sum3A_115 = vector.multi_reduction <add>, %convert_element_type3A_114, %reduce_sum3A [0] : vector<10000x128xf32> to vector<128xf32>
      %broadcast_in_dim3A_116 = vector.shape_cast %reduce_sum3A_115 : vector<128xf32> to vector<1x128xf32>
      %get3A_117 = arith.constant 1 : index
      %get3A_118 = arith.constant 0 : index
      %get3A_119 = vector.load %arg4[%get3A_117, %get3A_118] : memref<12x128xf32, #tpu.memory_space<vmem>>, vector<1x128xf32>
      %le3A_120 = vector.broadcast %get3A_119 : vector<1x128xf32> to vector<10000x128xf32>
      %le3A_121 = arith.cmpf ole, %abs3A, %le3A_120 : vector<10000x128xf32>
      %convert_element_type3A_122 = arith.extui %le3A_121 : vector<10000x128xi1> to vector<10000x128xi32>
      %convert_element_type3A_123 = arith.sitofp %convert_element_type3A_122 : vector<10000x128xi32> to vector<10000x128xf32>
      %reduce_sum3A_124 = arith.constant dense<0.000000e+00> : vector<128xf32>
      %reduce_sum3A_125 = vector.multi_reduction <add>, %convert_element_type3A_123, %reduce_sum3A_124 [0] : vector<10000x128xf32> to vector<128xf32>
      %broadcast_in_dim3A_126 = vector.shape_cast %reduce_sum3A_125 : vector<128xf32> to vector<1x128xf32>
      %get3A_127 = arith.constant 2 : index
      %get3A_128 = arith.constant 0 : index
      %get3A_129 = vector.load %arg4[%get3A_127, %get3A_128] : memref<12x128xf32, #tpu.memory_space<vmem>>, vector<1x128xf32>
      %le3A_130 = vector.broadcast %get3A_129 : vector<1x128xf32> to vector<10000x128xf32>
      %le3A_131 = arith.cmpf ole, %abs3A, %le3A_130 : vector<10000x128xf32>
      %convert_element_type3A_132 = arith.extui %le3A_131 : vector<10000x128xi1> to vector<10000x128xi32>
      %convert_element_type3A_133 = arith.sitofp %convert_element_type3A_132 : vector<10000x128xi32> to vector<10000x128xf32>
      %reduce_sum3A_134 = arith.constant dense<0.000000e+00> : vector<128xf32>
      %reduce_sum3A_135 = vector.multi_reduction <add>, %convert_element_type3A_133, %reduce_sum3A_134 [0] : vector<10000x128xf32> to vector<128xf32>
      %broadcast_in_dim3A_136 = vector.shape_cast %reduce_sum3A_135 : vector<128xf32> to vector<1x128xf32>
      %get3A_137 = arith.constant 3 : index
      %get3A_138 = arith.constant 0 : index
      %get3A_139 = vector.load %arg4[%get3A_137, %get3A_138] : memref<12x128xf32, #tpu.memory_space<vmem>>, vector<1x128xf32>
      %le3A_140 = vector.broadcast %get3A_139 : vector<1x128xf32> to vector<10000x128xf32>
      %le3A_141 = arith.cmpf ole, %abs3A, %le3A_140 : vector<10000x128xf32>
      %convert_element_type3A_142 = arith.extui %le3A_141 : vector<10000x128xi1> to vector<10000x128xi32>
      %convert_element_type3A_143 = arith.sitofp %convert_element_type3A_142 : vector<10000x128xi32> to vector<10000x128xf32>
      %reduce_sum3A_144 = arith.constant dense<0.000000e+00> : vector<128xf32>
      %reduce_sum3A_145 = vector.multi_reduction <add>, %convert_element_type3A_143, %reduce_sum3A_144 [0] : vector<10000x128xf32> to vector<128xf32>
      %broadcast_in_dim3A_146 = vector.shape_cast %reduce_sum3A_145 : vector<128xf32> to vector<1x128xf32>
      %get3A_147 = arith.constant 4 : index
      %get3A_148 = arith.constant 0 : index
      %get3A_149 = vector.load %arg4[%get3A_147, %get3A_148] : memref<12x128xf32, #tpu.memory_space<vmem>>, vector<1x128xf32>
      %le3A_150 = vector.broadcast %get3A_149 : vector<1x128xf32> to vector<10000x128xf32>
      %le3A_151 = arith.cmpf ole, %abs3A, %le3A_150 : vector<10000x128xf32>
      %convert_element_type3A_152 = arith.extui %le3A_151 : vector<10000x128xi1> to vector<10000x128xi32>
      %convert_element_type3A_153 = arith.sitofp %convert_element_type3A_152 : vector<10000x128xi32> to vector<10000x128xf32>
      %reduce_sum3A_154 = arith.constant dense<0.000000e+00> : vector<128xf32>
      %reduce_sum3A_155 = vector.multi_reduction <add>, %convert_element_type3A_153, %reduce_sum3A_154 [0] : vector<10000x128xf32> to vector<128xf32>
      %broadcast_in_dim3A_156 = vector.shape_cast %reduce_sum3A_155 : vector<128xf32> to vector<1x128xf32>
      %get3A_157 = arith.constant 5 : index
      %get3A_158 = arith.constant 0 : index
      %get3A_159 = vector.load %arg4[%get3A_157, %get3A_158] : memref<12x128xf32, #tpu.memory_space<vmem>>, vector<1x128xf32>
      %le3A_160 = vector.broadcast %get3A_159 : vector<1x128xf32> to vector<10000x128xf32>
      %le3A_161 = arith.cmpf ole, %abs3A, %le3A_160 : vector<10000x128xf32>
      %convert_element_type3A_162 = arith.extui %le3A_161 : vector<10000x128xi1> to vector<10000x128xi32>
      %convert_element_type3A_163 = arith.sitofp %convert_element_type3A_162 : vector<10000x128xi32> to vector<10000x128xf32>
      %reduce_sum3A_164 = arith.constant dense<0.000000e+00> : vector<128xf32>
      %reduce_sum3A_165 = vector.multi_reduction <add>, %convert_element_type3A_163, %reduce_sum3A_164 [0] : vector<10000x128xf32> to vector<128xf32>
      %broadcast_in_dim3A_166 = vector.shape_cast %reduce_sum3A_165 : vector<128xf32> to vector<1x128xf32>
      %get3A_167 = arith.constant 6 : index
      %get3A_168 = arith.constant 0 : index
      %get3A_169 = vector.load %arg4[%get3A_167, %get3A_168] : memref<12x128xf32, #tpu.memory_space<vmem>>, vector<1x128xf32>
      %le3A_170 = vector.broadcast %get3A_169 : vector<1x128xf32> to vector<10000x128xf32>
      %le3A_171 = arith.cmpf ole, %abs3A, %le3A_170 : vector<10000x128xf32>
      %convert_element_type3A_172 = arith.extui %le3A_171 : vector<10000x128xi1> to vector<10000x128xi32>
      %convert_element_type3A_173 = arith.sitofp %convert_element_type3A_172 : vector<10000x128xi32> to vector<10000x128xf32>
      %reduce_sum3A_174 = arith.constant dense<0.000000e+00> : vector<128xf32>
      %reduce_sum3A_175 = vector.multi_reduction <add>, %convert_element_type3A_173, %reduce_sum3A_174 [0] : vector<10000x128xf32> to vector<128xf32>
      %broadcast_in_dim3A_176 = vector.shape_cast %reduce_sum3A_175 : vector<128xf32> to vector<1x128xf32>
      %get3A_177 = arith.constant 7 : index
      %get3A_178 = arith.constant 0 : index
      %get3A_179 = vector.load %arg4[%get3A_177, %get3A_178] : memref<12x128xf32, #tpu.memory_space<vmem>>, vector<1x128xf32>
      %le3A_180 = vector.broadcast %get3A_179 : vector<1x128xf32> to vector<10000x128xf32>
      %le3A_181 = arith.cmpf ole, %abs3A, %le3A_180 : vector<10000x128xf32>
      %convert_element_type3A_182 = arith.extui %le3A_181 : vector<10000x128xi1> to vector<10000x128xi32>
      %convert_element_type3A_183 = arith.sitofp %convert_element_type3A_182 : vector<10000x128xi32> to vector<10000x128xf32>
      %reduce_sum3A_184 = arith.constant dense<0.000000e+00> : vector<128xf32>
      %reduce_sum3A_185 = vector.multi_reduction <add>, %convert_element_type3A_183, %reduce_sum3A_184 [0] : vector<10000x128xf32> to vector<128xf32>
      %broadcast_in_dim3A_186 = vector.shape_cast %reduce_sum3A_185 : vector<128xf32> to vector<1x128xf32>
      %get3A_187 = arith.constant 8 : index
      %get3A_188 = arith.constant 0 : index
      %get3A_189 = vector.load %arg4[%get3A_187, %get3A_188] : memref<12x128xf32, #tpu.memory_space<vmem>>, vector<1x128xf32>
      %le3A_190 = vector.broadcast %get3A_189 : vector<1x128xf32> to vector<10000x128xf32>
      %le3A_191 = arith.cmpf ole, %abs3A, %le3A_190 : vector<10000x128xf32>
      %convert_element_type3A_192 = arith.extui %le3A_191 : vector<10000x128xi1> to vector<10000x128xi32>
      %convert_element_type3A_193 = arith.sitofp %convert_element_type3A_192 : vector<10000x128xi32> to vector<10000x128xf32>
      %reduce_sum3A_194 = arith.constant dense<0.000000e+00> : vector<128xf32>
      %reduce_sum3A_195 = vector.multi_reduction <add>, %convert_element_type3A_193, %reduce_sum3A_194 [0] : vector<10000x128xf32> to vector<128xf32>
      %broadcast_in_dim3A_196 = vector.shape_cast %reduce_sum3A_195 : vector<128xf32> to vector<1x128xf32>
      %get3A_197 = arith.constant 9 : index
      %get3A_198 = arith.constant 0 : index
      %get3A_199 = vector.load %arg4[%get3A_197, %get3A_198] : memref<12x128xf32, #tpu.memory_space<vmem>>, vector<1x128xf32>
      %le3A_200 = vector.broadcast %get3A_199 : vector<1x128xf32> to vector<10000x128xf32>
      %le3A_201 = arith.cmpf ole, %abs3A, %le3A_200 : vector<10000x128xf32>
      %convert_element_type3A_202 = arith.extui %le3A_201 : vector<10000x128xi1> to vector<10000x128xi32>
      %convert_element_type3A_203 = arith.sitofp %convert_element_type3A_202 : vector<10000x128xi32> to vector<10000x128xf32>
      %reduce_sum3A_204 = arith.constant dense<0.000000e+00> : vector<128xf32>
      %reduce_sum3A_205 = vector.multi_reduction <add>, %convert_element_type3A_203, %reduce_sum3A_204 [0] : vector<10000x128xf32> to vector<128xf32>
      %broadcast_in_dim3A_206 = vector.shape_cast %reduce_sum3A_205 : vector<128xf32> to vector<1x128xf32>
      %get3A_207 = arith.constant 10 : index
      %get3A_208 = arith.constant 0 : index
      %get3A_209 = vector.load %arg4[%get3A_207, %get3A_208] : memref<12x128xf32, #tpu.memory_space<vmem>>, vector<1x128xf32>
      %le3A_210 = vector.broadcast %get3A_209 : vector<1x128xf32> to vector<10000x128xf32>
      %le3A_211 = arith.cmpf ole, %abs3A, %le3A_210 : vector<10000x128xf32>
      %convert_element_type3A_212 = arith.extui %le3A_211 : vector<10000x128xi1> to vector<10000x128xi32>
      %convert_element_type3A_213 = arith.sitofp %convert_element_type3A_212 : vector<10000x128xi32> to vector<10000x128xf32>
      %reduce_sum3A_214 = arith.constant dense<0.000000e+00> : vector<128xf32>
      %reduce_sum3A_215 = vector.multi_reduction <add>, %convert_element_type3A_213, %reduce_sum3A_214 [0] : vector<10000x128xf32> to vector<128xf32>
      %broadcast_in_dim3A_216 = vector.shape_cast %reduce_sum3A_215 : vector<128xf32> to vector<1x128xf32>
      %get3A_217 = arith.constant 11 : index
      %get3A_218 = arith.constant 0 : index
      %get3A_219 = vector.load %arg4[%get3A_217, %get3A_218] : memref<12x128xf32, #tpu.memory_space<vmem>>, vector<1x128xf32>
      %le3A_220 = vector.broadcast %get3A_219 : vector<1x128xf32> to vector<10000x128xf32>
      %le3A_221 = arith.cmpf ole, %abs3A, %le3A_220 : vector<10000x128xf32>
      %convert_element_type3A_222 = arith.extui %le3A_221 : vector<10000x128xi1> to vector<10000x128xi32>
      %convert_element_type3A_223 = arith.sitofp %convert_element_type3A_222 : vector<10000x128xi32> to vector<10000x128xf32>
      %reduce_sum3A_224 = arith.constant dense<0.000000e+00> : vector<128xf32>
      %reduce_sum3A_225 = vector.multi_reduction <add>, %convert_element_type3A_223, %reduce_sum3A_224 [0] : vector<10000x128xf32> to vector<128xf32>
      %broadcast_in_dim3A_226 = vector.shape_cast %reduce_sum3A_225 : vector<128xf32> to vector<1x128xf32>
      %concatenate3A = tpu.concatenate %broadcast_in_dim3A_116, %broadcast_in_dim3A_126, %broadcast_in_dim3A_136, %broadcast_in_dim3A_146, %broadcast_in_dim3A_156, %broadcast_in_dim3A_166, %broadcast_in_dim3A_176, %broadcast_in_dim3A_186, %broadcast_in_dim3A_196, %broadcast_in_dim3A_206, %broadcast_in_dim3A_216, %broadcast_in_dim3A_226 in 0 : vector<1x128xf32>, vector<1x128xf32>, vector<1x128xf32>, vector<1x128xf32>, vector<1x128xf32>, vector<1x128xf32>, vector<1x128xf32>, vector<1x128xf32>, vector<1x128xf32>, vector<1x128xf32>, vector<1x128xf32>, vector<1x128xf32> -> vector<12x128xf32>
      %add3A_227 = arith.addf %get3A_108, %concatenate3A : vector<12x128xf32>
      %swap3A = arith.constant 0 : index
      %swap3A_228 = arith.constant 0 : index
      %swap3A_229 = vector.load %arg11[%swap3A, %swap3A_228] : memref<12x128xf32, #tpu.memory_space<vmem>>, vector<12x128xf32>
      tpu.vector_store %arg11[%swap3A, %swap3A_228], %add3A_227 {strides = array<i32>} : memref<12x128xf32, #tpu.memory_space<vmem>>, vector<12x128xf32>,
      %get3A_230 = arith.constant 5 : index
      %get3A_231 = arith.constant 0 : index
      %get3A_232 = vector.load %arg10[%get3A_230, %get3A_231] : memref<8x128xf32, #tpu.memory_space<vmem>>, vector<1x128xf32>
      %reduce_max3A = arith.constant dense<0xFF800000> : vector<128xf32>
      %reduce_max3A_233 = vector.multi_reduction <maximumf>, %abs3A, %reduce_max3A [0] : vector<10000x128xf32> to vector<128xf32>
      %broadcast_in_dim3A_234 = vector.shape_cast %reduce_max3A_233 : vector<128xf32> to vector<1x128xf32>
      %max3A = arith.maximumf %get3A_232, %broadcast_in_dim3A_234 : vector<1x128xf32>
      %swap3A_235 = arith.constant 5 : index
      %swap3A_236 = arith.constant 0 : index
      %swap3A_237 = vector.load %arg10[%swap3A_235, %swap3A_236] : memref<8x128xf32, #tpu.memory_space<vmem>>, vector<1x128xf32>
      tpu.vector_store %arg10[%swap3A_235, %swap3A_236], %max3A {strides = array<i32>} : memref<8x128xf32, #tpu.memory_space<vmem>>, vector<1x128xf32>,
      %eq3A_238 = arith.constant 24 : i32
      %eq3A_239 = arith.cmpi eq, %arg1, %eq3A_238 : i32
      %convert_element_type3A_240 = arith.extui %eq3A_239 : i1 to i32
      %cond3A_241 = arith.constant 0 : i32
      %cond3A_242 = arith.cmpi ne, %convert_element_type3A_240, %cond3A_241 : i32
      scf.if %cond3A_242 {
        %broadcast_in_dim3A_243 = arith.constant 0.000000e+00 : f32
        %broadcast_in_dim3A_244 = vector.broadcast %broadcast_in_dim3A_243 : f32 to vector<1x128xf32>
        %get3A_245 = arith.constant 0 : index
        %get3A_246 = arith.constant 0 : index
        %get3A_247 = vector.load %arg4[%get3A_245, %get3A_246] : memref<12x128xf32, #tpu.memory_space<vmem>>, vector<12x128xf32>
        %get3A_248 = arith.constant 5 : index
        %get3A_249 = arith.constant 0 : index
        %get3A_250 = vector.load %arg10[%get3A_248, %get3A_249] : memref<8x128xf32, #tpu.memory_space<vmem>>, vector<1x128xf32>
        %slice3A = vector.extract_strided_slice %get3A_250 {offsets = [0, 0], sizes = [1, 32], strides = [1, 1]} : vector<1x128xf32> to vector<1x32xf32>
        %slice3A_251 = vector.extract_strided_slice %get3A_250 {offsets = [0, 32], sizes = [1, 32], strides = [1, 1]} : vector<1x128xf32> to vector<1x32xf32>
        %slice3A_252 = vector.extract_strided_slice %get3A_250 {offsets = [0, 64], sizes = [1, 32], strides = [1, 1]} : vector<1x128xf32> to vector<1x32xf32>
        %slice3A_253 = vector.extract_strided_slice %get3A_250 {offsets = [0, 96], sizes = [1, 32], strides = [1, 1]} : vector<1x128xf32> to vector<1x32xf32>
        %max3A_254 = arith.maximumf %slice3A, %slice3A_251 : vector<1x32xf32>
        %max3A_255 = arith.maximumf %slice3A_252, %slice3A_253 : vector<1x32xf32>
        %max3A_256 = arith.maximumf %max3A_254, %max3A_255 : vector<1x32xf32>
        %concatenate3A_257 = tpu.concatenate %max3A_256, %max3A_256, %max3A_256, %max3A_256 in 1 : vector<1x32xf32>, vector<1x32xf32>, vector<1x32xf32>, vector<1x32xf32> -> vector<1x128xf32>
        %concatenate3A_258 = tpu.concatenate %broadcast_in_dim3A_244, %get3A_247, %concatenate3A_257 in 0 : vector<1x128xf32>, vector<12x128xf32>, vector<1x128xf32> -> vector<14x128xf32>
        %get3A_259 = arith.constant 0 : index
        %get3A_260 = arith.constant 0 : index
        %get3A_261 = vector.load %arg11[%get3A_259, %get3A_260] : memref<12x128xf32, #tpu.memory_space<vmem>>, vector<12x128xf32>
        %slice3A_262 = vector.extract_strided_slice %get3A_261 {offsets = [0, 0], sizes = [12, 32], strides = [1, 1]} : vector<12x128xf32> to vector<12x32xf32>
        %slice3A_263 = vector.extract_strided_slice %get3A_261 {offsets = [0, 32], sizes = [12, 32], strides = [1, 1]} : vector<12x128xf32> to vector<12x32xf32>
        %slice3A_264 = vector.extract_strided_slice %get3A_261 {offsets = [0, 64], sizes = [12, 32], strides = [1, 1]} : vector<12x128xf32> to vector<12x32xf32>
        %slice3A_265 = vector.extract_strided_slice %get3A_261 {offsets = [0, 96], sizes = [12, 32], strides = [1, 1]} : vector<12x128xf32> to vector<12x32xf32>
        %add3A_266 = arith.addf %slice3A_262, %slice3A_263 : vector<12x32xf32>
        %add3A_267 = arith.addf %slice3A_264, %slice3A_265 : vector<12x32xf32>
        %add3A_268 = arith.addf %add3A_266, %add3A_267 : vector<12x32xf32>
        %concatenate3A_269 = tpu.concatenate %add3A_268, %add3A_268, %add3A_268, %add3A_268 in 1 : vector<12x32xf32>, vector<12x32xf32>, vector<12x32xf32>, vector<12x32xf32> -> vector<12x128xf32>
        %broadcast_in_dim3A_270 = arith.constant 1.000000e+06 : f32
        %broadcast_in_dim3A_271 = vector.broadcast %broadcast_in_dim3A_270 : f32 to vector<1x128xf32>
        %concatenate3A_272 = tpu.concatenate %broadcast_in_dim3A_244, %concatenate3A_269, %broadcast_in_dim3A_271 in 0 : vector<1x128xf32>, vector<12x128xf32>, vector<1x128xf32> -> vector<14x128xf32>
        %lt3A = arith.constant 5.000000e+04 : f32
        %lt3A_273 = vector.broadcast %lt3A : f32 to vector<14x128xf32>
        %lt3A_274 = arith.cmpf olt, %concatenate3A_272, %lt3A_273 : vector<14x128xf32>
        %convert_element_type3A_275 = arith.extui %lt3A_274 : vector<14x128xi1> to vector<14x128xi32>
        %convert_element_type3A_276 = arith.sitofp %convert_element_type3A_275 : vector<14x128xi32> to vector<14x128xf32>
        %reduce_sum3A_277 = arith.constant dense<0.000000e+00> : vector<128xf32>
        %reduce_sum3A_278 = vector.multi_reduction <add>, %convert_element_type3A_276, %reduce_sum3A_277 [0] : vector<14x128xf32> to vector<128xf32>
        %broadcast_in_dim3A_279 = vector.shape_cast %reduce_sum3A_278 : vector<128xf32> to vector<1x128xf32>
        %iota3A_280 = tpu.iota {dimensions = array<i32: 0>} : vector<14x128xi32>
        %convert_element_type3A_281 = arith.sitofp %iota3A_280 : vector<14x128xi32> to vector<14x128xf32>
        %sub3A_282 = arith.constant 1.000000e+00 : f32
        %sub3A_283 = vector.broadcast %sub3A_282 : f32 to vector<1x128xf32>
        %sub3A_284 = arith.subf %broadcast_in_dim3A_279, %sub3A_283 : vector<1x128xf32>
        %eq3A_285 = vector.broadcast %sub3A_284 : vector<1x128xf32> to vector<14x128xf32>
        %eq3A_286 = arith.cmpf oeq, %convert_element_type3A_281, %eq3A_285 : vector<14x128xf32>
        %convert_element_type3A_287 = arith.extui %eq3A_286 : vector<14x128xi1> to vector<14x128xi32>
        %convert_element_type3A_288 = arith.sitofp %convert_element_type3A_287 : vector<14x128xi32> to vector<14x128xf32>
        %eq3A_289 = vector.broadcast %broadcast_in_dim3A_279 : vector<1x128xf32> to vector<14x128xf32>
        %eq3A_290 = arith.cmpf oeq, %convert_element_type3A_281, %eq3A_289 : vector<14x128xf32>
        %convert_element_type3A_291 = arith.extui %eq3A_290 : vector<14x128xi1> to vector<14x128xi32>
        %convert_element_type3A_292 = arith.sitofp %convert_element_type3A_291 : vector<14x128xi32> to vector<14x128xf32>
        %mul3A_293 = arith.mulf %concatenate3A_258, %convert_element_type3A_288 : vector<14x128xf32>
        %reduce_sum3A_294 = arith.constant dense<0.000000e+00> : vector<128xf32>
        %reduce_sum3A_295 = vector.multi_reduction <add>, %mul3A_293, %reduce_sum3A_294 [0] : vector<14x128xf32> to vector<128xf32>
        %broadcast_in_dim3A_296 = vector.shape_cast %reduce_sum3A_295 : vector<128xf32> to vector<1x128xf32>
        %mul3A_297 = arith.mulf %concatenate3A_272, %convert_element_type3A_288 : vector<14x128xf32>
        %reduce_sum3A_298 = arith.constant dense<0.000000e+00> : vector<128xf32>
        %reduce_sum3A_299 = vector.multi_reduction <add>, %mul3A_297, %reduce_sum3A_298 [0] : vector<14x128xf32> to vector<128xf32>
        %broadcast_in_dim3A_300 = vector.shape_cast %reduce_sum3A_299 : vector<128xf32> to vector<1x128xf32>
        %mul3A_301 = arith.mulf %concatenate3A_258, %convert_element_type3A_292 : vector<14x128xf32>
        %reduce_sum3A_302 = arith.constant dense<0.000000e+00> : vector<128xf32>
        %reduce_sum3A_303 = vector.multi_reduction <add>, %mul3A_301, %reduce_sum3A_302 [0] : vector<14x128xf32> to vector<128xf32>
        %broadcast_in_dim3A_304 = vector.shape_cast %reduce_sum3A_303 : vector<128xf32> to vector<1x128xf32>
        %mul3A_305 = arith.mulf %concatenate3A_272, %convert_element_type3A_292 : vector<14x128xf32>
        %reduce_sum3A_306 = arith.constant dense<0.000000e+00> : vector<128xf32>
        %reduce_sum3A_307 = vector.multi_reduction <add>, %mul3A_305, %reduce_sum3A_306 [0] : vector<14x128xf32> to vector<128xf32>
        %broadcast_in_dim3A_308 = vector.shape_cast %reduce_sum3A_307 : vector<128xf32> to vector<1x128xf32>
        %swap3A_309 = arith.constant 0 : index
        %swap3A_310 = arith.constant 0 : index
        %swap3A_311 = vector.load %arg10[%swap3A_309, %swap3A_310] : memref<8x128xf32, #tpu.memory_space<vmem>>, vector<1x128xf32>
        tpu.vector_store %arg10[%swap3A_309, %swap3A_310], %broadcast_in_dim3A_296 {strides = array<i32>} : memref<8x128xf32, #tpu.memory_space<vmem>>, vector<1x128xf32>,
        %swap3A_312 = arith.constant 1 : index
        %swap3A_313 = arith.constant 0 : index
        %swap3A_314 = vector.load %arg10[%swap3A_312, %swap3A_313] : memref<8x128xf32, #tpu.memory_space<vmem>>, vector<1x128xf32>
        tpu.vector_store %arg10[%swap3A_312, %swap3A_313], %broadcast_in_dim3A_304 {strides = array<i32>} : memref<8x128xf32, #tpu.memory_space<vmem>>, vector<1x128xf32>,
        %swap3A_315 = arith.constant 2 : index
        %swap3A_316 = arith.constant 0 : index
        %swap3A_317 = vector.load %arg10[%swap3A_315, %swap3A_316] : memref<8x128xf32, #tpu.memory_space<vmem>>, vector<1x128xf32>
        tpu.vector_store %arg10[%swap3A_315, %swap3A_316], %broadcast_in_dim3A_300 {strides = array<i32>} : memref<8x128xf32, #tpu.memory_space<vmem>>, vector<1x128xf32>,
        %swap3A_318 = arith.constant 3 : index
        %swap3A_319 = arith.constant 0 : index
        %swap3A_320 = vector.load %arg10[%swap3A_318, %swap3A_319] : memref<8x128xf32, #tpu.memory_space<vmem>>, vector<1x128xf32>
        tpu.vector_store %arg10[%swap3A_318, %swap3A_319], %broadcast_in_dim3A_308 {strides = array<i32>} : memref<8x128xf32, #tpu.memory_space<vmem>>, vector<1x128xf32>,
        %sub3A_321 = arith.subf %broadcast_in_dim3A_304, %broadcast_in_dim3A_296 : vector<1x128xf32>
        %mul3A_322 = vector.broadcast %sub3A_321 : vector<1x128xf32> to vector<8x128xf32>
        %mul3A_323 = arith.mulf %mul3A_322, %mul3A_76 : vector<8x128xf32>
        %add3A_324 = vector.broadcast %broadcast_in_dim3A_296 : vector<1x128xf32> to vector<8x128xf32>
        %add3A_325 = arith.addf %add3A_324, %mul3A_323 : vector<8x128xf32>
        %swap3A_326 = arith.constant 0 : index
        %swap3A_327 = arith.constant 0 : index
        %swap3A_328 = vector.load %arg9[%swap3A_326, %swap3A_327] : memref<8x128xf32, #tpu.memory_space<vmem>>, vector<8x128xf32>
        tpu.vector_store %arg9[%swap3A_326, %swap3A_327], %add3A_325 {strides = array<i32>} : memref<8x128xf32, #tpu.memory_space<vmem>>, vector<8x128xf32>,
      } else {
      }
    } else {
    }
    %eq3A_94 = arith.constant 1 : i32
    %eq3A_95 = arith.cmpi eq, %arg0, %eq3A_94 : i32
    %eq3A_96 = arith.constant 2 : i32
    %eq3A_97 = arith.cmpi eq, %arg0, %eq3A_96 : i32
    %or3A = arith.ori %eq3A_95, %eq3A_97 : i1
    %convert_element_type3A_98 = arith.extui %or3A : i1 to i32
    %cond3A_99 = arith.constant 0 : i32
    %cond3A_100 = arith.cmpi ne, %convert_element_type3A_98, %cond3A_99 : i32
    scf.if %cond3A_100 {
      %get3A_106 = arith.constant 0 : index
      %get3A_107 = arith.constant 0 : index
      %get3A_108 = vector.load %arg11[%get3A_106, %get3A_107] : memref<12x128xf32, #tpu.memory_space<vmem>>, vector<8x128xf32>
      %get3A_109 = arith.constant 0 : index
      %get3A_110 = arith.constant 0 : index
      %get3A_111 = vector.load %arg9[%get3A_109, %get3A_110] : memref<8x128xf32, #tpu.memory_space<vmem>>, vector<1x128xf32>
      %le3A = vector.broadcast %get3A_111 : vector<1x128xf32> to vector<10000x128xf32>
      %le3A_112 = arith.cmpf ole, %abs3A, %le3A : vector<10000x128xf32>
      %convert_element_type3A_113 = arith.extui %le3A_112 : vector<10000x128xi1> to vector<10000x128xi32>
      %convert_element_type3A_114 = arith.sitofp %convert_element_type3A_113 : vector<10000x128xi32> to vector<10000x128xf32>
      %reduce_sum3A = arith.constant dense<0.000000e+00> : vector<128xf32>
      %reduce_sum3A_115 = vector.multi_reduction <add>, %convert_element_type3A_114, %reduce_sum3A [0] : vector<10000x128xf32> to vector<128xf32>
      %broadcast_in_dim3A_116 = vector.shape_cast %reduce_sum3A_115 : vector<128xf32> to vector<1x128xf32>
      %get3A_117 = arith.constant 1 : index
      %get3A_118 = arith.constant 0 : index
      %get3A_119 = vector.load %arg9[%get3A_117, %get3A_118] : memref<8x128xf32, #tpu.memory_space<vmem>>, vector<1x128xf32>
      %le3A_120 = vector.broadcast %get3A_119 : vector<1x128xf32> to vector<10000x128xf32>
      %le3A_121 = arith.cmpf ole, %abs3A, %le3A_120 : vector<10000x128xf32>
      %convert_element_type3A_122 = arith.extui %le3A_121 : vector<10000x128xi1> to vector<10000x128xi32>
      %convert_element_type3A_123 = arith.sitofp %convert_element_type3A_122 : vector<10000x128xi32> to vector<10000x128xf32>
      %reduce_sum3A_124 = arith.constant dense<0.000000e+00> : vector<128xf32>
      %reduce_sum3A_125 = vector.multi_reduction <add>, %convert_element_type3A_123, %reduce_sum3A_124 [0] : vector<10000x128xf32> to vector<128xf32>
      %broadcast_in_dim3A_126 = vector.shape_cast %reduce_sum3A_125 : vector<128xf32> to vector<1x128xf32>
      %get3A_127 = arith.constant 2 : index
      %get3A_128 = arith.constant 0 : index
      %get3A_129 = vector.load %arg9[%get3A_127, %get3A_128] : memref<8x128xf32, #tpu.memory_space<vmem>>, vector<1x128xf32>
      %le3A_130 = vector.broadcast %get3A_129 : vector<1x128xf32> to vector<10000x128xf32>
      %le3A_131 = arith.cmpf ole, %abs3A, %le3A_130 : vector<10000x128xf32>
      %convert_element_type3A_132 = arith.extui %le3A_131 : vector<10000x128xi1> to vector<10000x128xi32>
      %convert_element_type3A_133 = arith.sitofp %convert_element_type3A_132 : vector<10000x128xi32> to vector<10000x128xf32>
      %reduce_sum3A_134 = arith.constant dense<0.000000e+00> : vector<128xf32>
      %reduce_sum3A_135 = vector.multi_reduction <add>, %convert_element_type3A_133, %reduce_sum3A_134 [0] : vector<10000x128xf32> to vector<128xf32>
      %broadcast_in_dim3A_136 = vector.shape_cast %reduce_sum3A_135 : vector<128xf32> to vector<1x128xf32>
      %get3A_137 = arith.constant 3 : index
      %get3A_138 = arith.constant 0 : index
      %get3A_139 = vector.load %arg9[%get3A_137, %get3A_138] : memref<8x128xf32, #tpu.memory_space<vmem>>, vector<1x128xf32>
      %le3A_140 = vector.broadcast %get3A_139 : vector<1x128xf32> to vector<10000x128xf32>
      %le3A_141 = arith.cmpf ole, %abs3A, %le3A_140 : vector<10000x128xf32>
      %convert_element_type3A_142 = arith.extui %le3A_141 : vector<10000x128xi1> to vector<10000x128xi32>
      %convert_element_type3A_143 = arith.sitofp %convert_element_type3A_142 : vector<10000x128xi32> to vector<10000x128xf32>
      %reduce_sum3A_144 = arith.constant dense<0.000000e+00> : vector<128xf32>
      %reduce_sum3A_145 = vector.multi_reduction <add>, %convert_element_type3A_143, %reduce_sum3A_144 [0] : vector<10000x128xf32> to vector<128xf32>
      %broadcast_in_dim3A_146 = vector.shape_cast %reduce_sum3A_145 : vector<128xf32> to vector<1x128xf32>
      %get3A_147 = arith.constant 4 : index
      %get3A_148 = arith.constant 0 : index
      %get3A_149 = vector.load %arg9[%get3A_147, %get3A_148] : memref<8x128xf32, #tpu.memory_space<vmem>>, vector<1x128xf32>
      %le3A_150 = vector.broadcast %get3A_149 : vector<1x128xf32> to vector<10000x128xf32>
      %le3A_151 = arith.cmpf ole, %abs3A, %le3A_150 : vector<10000x128xf32>
      %convert_element_type3A_152 = arith.extui %le3A_151 : vector<10000x128xi1> to vector<10000x128xi32>
      %convert_element_type3A_153 = arith.sitofp %convert_element_type3A_152 : vector<10000x128xi32> to vector<10000x128xf32>
      %reduce_sum3A_154 = arith.constant dense<0.000000e+00> : vector<128xf32>
      %reduce_sum3A_155 = vector.multi_reduction <add>, %convert_element_type3A_153, %reduce_sum3A_154 [0] : vector<10000x128xf32> to vector<128xf32>
      %broadcast_in_dim3A_156 = vector.shape_cast %reduce_sum3A_155 : vector<128xf32> to vector<1x128xf32>
      %get3A_157 = arith.constant 5 : index
      %get3A_158 = arith.constant 0 : index
      %get3A_159 = vector.load %arg9[%get3A_157, %get3A_158] : memref<8x128xf32, #tpu.memory_space<vmem>>, vector<1x128xf32>
      %le3A_160 = vector.broadcast %get3A_159 : vector<1x128xf32> to vector<10000x128xf32>
      %le3A_161 = arith.cmpf ole, %abs3A, %le3A_160 : vector<10000x128xf32>
      %convert_element_type3A_162 = arith.extui %le3A_161 : vector<10000x128xi1> to vector<10000x128xi32>
      %convert_element_type3A_163 = arith.sitofp %convert_element_type3A_162 : vector<10000x128xi32> to vector<10000x128xf32>
      %reduce_sum3A_164 = arith.constant dense<0.000000e+00> : vector<128xf32>
      %reduce_sum3A_165 = vector.multi_reduction <add>, %convert_element_type3A_163, %reduce_sum3A_164 [0] : vector<10000x128xf32> to vector<128xf32>
      %broadcast_in_dim3A_166 = vector.shape_cast %reduce_sum3A_165 : vector<128xf32> to vector<1x128xf32>
      %get3A_167 = arith.constant 6 : index
      %get3A_168 = arith.constant 0 : index
      %get3A_169 = vector.load %arg9[%get3A_167, %get3A_168] : memref<8x128xf32, #tpu.memory_space<vmem>>, vector<1x128xf32>
      %le3A_170 = vector.broadcast %get3A_169 : vector<1x128xf32> to vector<10000x128xf32>
      %le3A_171 = arith.cmpf ole, %abs3A, %le3A_170 : vector<10000x128xf32>
      %convert_element_type3A_172 = arith.extui %le3A_171 : vector<10000x128xi1> to vector<10000x128xi32>
      %convert_element_type3A_173 = arith.sitofp %convert_element_type3A_172 : vector<10000x128xi32> to vector<10000x128xf32>
      %reduce_sum3A_174 = arith.constant dense<0.000000e+00> : vector<128xf32>
      %reduce_sum3A_175 = vector.multi_reduction <add>, %convert_element_type3A_173, %reduce_sum3A_174 [0] : vector<10000x128xf32> to vector<128xf32>
      %broadcast_in_dim3A_176 = vector.shape_cast %reduce_sum3A_175 : vector<128xf32> to vector<1x128xf32>
      %get3A_177 = arith.constant 7 : index
      %get3A_178 = arith.constant 0 : index
      %get3A_179 = vector.load %arg9[%get3A_177, %get3A_178] : memref<8x128xf32, #tpu.memory_space<vmem>>, vector<1x128xf32>
      %le3A_180 = vector.broadcast %get3A_179 : vector<1x128xf32> to vector<10000x128xf32>
      %le3A_181 = arith.cmpf ole, %abs3A, %le3A_180 : vector<10000x128xf32>
      %convert_element_type3A_182 = arith.extui %le3A_181 : vector<10000x128xi1> to vector<10000x128xi32>
      %convert_element_type3A_183 = arith.sitofp %convert_element_type3A_182 : vector<10000x128xi32> to vector<10000x128xf32>
      %reduce_sum3A_184 = arith.constant dense<0.000000e+00> : vector<128xf32>
      %reduce_sum3A_185 = vector.multi_reduction <add>, %convert_element_type3A_183, %reduce_sum3A_184 [0] : vector<10000x128xf32> to vector<128xf32>
      %broadcast_in_dim3A_186 = vector.shape_cast %reduce_sum3A_185 : vector<128xf32> to vector<1x128xf32>
      %concatenate3A = tpu.concatenate %broadcast_in_dim3A_116, %broadcast_in_dim3A_126, %broadcast_in_dim3A_136, %broadcast_in_dim3A_146, %broadcast_in_dim3A_156, %broadcast_in_dim3A_166, %broadcast_in_dim3A_176, %broadcast_in_dim3A_186 in 0 : vector<1x128xf32>, vector<1x128xf32>, vector<1x128xf32>, vector<1x128xf32>, vector<1x128xf32>, vector<1x128xf32>, vector<1x128xf32>, vector<1x128xf32> -> vector<8x128xf32>
      %add3A_187 = arith.addf %get3A_108, %concatenate3A : vector<8x128xf32>
      %swap3A = arith.constant 0 : index
      %swap3A_188 = arith.constant 0 : index
      %swap3A_189 = vector.load %arg11[%swap3A, %swap3A_188] : memref<12x128xf32, #tpu.memory_space<vmem>>, vector<8x128xf32>
      tpu.vector_store %arg11[%swap3A, %swap3A_188], %add3A_187 {strides = array<i32>} : memref<12x128xf32, #tpu.memory_space<vmem>>, vector<8x128xf32>,
      %eq3A_190 = arith.constant 24 : i32
      %eq3A_191 = arith.cmpi eq, %arg1, %eq3A_190 : i32
      %convert_element_type3A_192 = arith.extui %eq3A_191 : i1 to i32
      %cond3A_193 = arith.constant 0 : i32
      %cond3A_194 = arith.cmpi ne, %convert_element_type3A_192, %cond3A_193 : i32
      scf.if %cond3A_194 {
        %get3A_195 = arith.constant 0 : index
        %get3A_196 = arith.constant 0 : index
        %get3A_197 = vector.load %arg10[%get3A_195, %get3A_196] : memref<8x128xf32, #tpu.memory_space<vmem>>, vector<1x128xf32>
        %get3A_198 = arith.constant 0 : index
        %get3A_199 = arith.constant 0 : index
        %get3A_200 = vector.load %arg9[%get3A_198, %get3A_199] : memref<8x128xf32, #tpu.memory_space<vmem>>, vector<8x128xf32>
        %get3A_201 = arith.constant 1 : index
        %get3A_202 = arith.constant 0 : index
        %get3A_203 = vector.load %arg10[%get3A_201, %get3A_202] : memref<8x128xf32, #tpu.memory_space<vmem>>, vector<1x128xf32>
        %concatenate3A_204 = tpu.concatenate %get3A_197, %get3A_200, %get3A_203 in 0 : vector<1x128xf32>, vector<8x128xf32>, vector<1x128xf32> -> vector<10x128xf32>
        %get3A_205 = arith.constant 2 : index
        %get3A_206 = arith.constant 0 : index
        %get3A_207 = vector.load %arg10[%get3A_205, %get3A_206] : memref<8x128xf32, #tpu.memory_space<vmem>>, vector<1x128xf32>
        %get3A_208 = arith.constant 0 : index
        %get3A_209 = arith.constant 0 : index
        %get3A_210 = vector.load %arg11[%get3A_208, %get3A_209] : memref<12x128xf32, #tpu.memory_space<vmem>>, vector<8x128xf32>
        %slice3A = vector.extract_strided_slice %get3A_210 {offsets = [0, 0], sizes = [8, 32], strides = [1, 1]} : vector<8x128xf32> to vector<8x32xf32>
        %slice3A_211 = vector.extract_strided_slice %get3A_210 {offsets = [0, 32], sizes = [8, 32], strides = [1, 1]} : vector<8x128xf32> to vector<8x32xf32>
        %slice3A_212 = vector.extract_strided_slice %get3A_210 {offsets = [0, 64], sizes = [8, 32], strides = [1, 1]} : vector<8x128xf32> to vector<8x32xf32>
        %slice3A_213 = vector.extract_strided_slice %get3A_210 {offsets = [0, 96], sizes = [8, 32], strides = [1, 1]} : vector<8x128xf32> to vector<8x32xf32>
        %add3A_214 = arith.addf %slice3A, %slice3A_211 : vector<8x32xf32>
        %add3A_215 = arith.addf %slice3A_212, %slice3A_213 : vector<8x32xf32>
        %add3A_216 = arith.addf %add3A_214, %add3A_215 : vector<8x32xf32>
        %concatenate3A_217 = tpu.concatenate %add3A_216, %add3A_216, %add3A_216, %add3A_216 in 1 : vector<8x32xf32>, vector<8x32xf32>, vector<8x32xf32>, vector<8x32xf32> -> vector<8x128xf32>
        %get3A_218 = arith.constant 3 : index
        %get3A_219 = arith.constant 0 : index
        %get3A_220 = vector.load %arg10[%get3A_218, %get3A_219] : memref<8x128xf32, #tpu.memory_space<vmem>>, vector<1x128xf32>
        %concatenate3A_221 = tpu.concatenate %get3A_207, %concatenate3A_217, %get3A_220 in 0 : vector<1x128xf32>, vector<8x128xf32>, vector<1x128xf32> -> vector<10x128xf32>
        %lt3A = arith.constant 5.000000e+04 : f32
        %lt3A_222 = vector.broadcast %lt3A : f32 to vector<10x128xf32>
        %lt3A_223 = arith.cmpf olt, %concatenate3A_221, %lt3A_222 : vector<10x128xf32>
        %convert_element_type3A_224 = arith.extui %lt3A_223 : vector<10x128xi1> to vector<10x128xi32>
        %convert_element_type3A_225 = arith.sitofp %convert_element_type3A_224 : vector<10x128xi32> to vector<10x128xf32>
        %reduce_sum3A_226 = arith.constant dense<0.000000e+00> : vector<128xf32>
        %reduce_sum3A_227 = vector.multi_reduction <add>, %convert_element_type3A_225, %reduce_sum3A_226 [0] : vector<10x128xf32> to vector<128xf32>
        %broadcast_in_dim3A_228 = vector.shape_cast %reduce_sum3A_227 : vector<128xf32> to vector<1x128xf32>
        %iota3A_229 = tpu.iota {dimensions = array<i32: 0>} : vector<10x128xi32>
        %convert_element_type3A_230 = arith.sitofp %iota3A_229 : vector<10x128xi32> to vector<10x128xf32>
        %sub3A_231 = arith.constant 1.000000e+00 : f32
        %sub3A_232 = vector.broadcast %sub3A_231 : f32 to vector<1x128xf32>
        %sub3A_233 = arith.subf %broadcast_in_dim3A_228, %sub3A_232 : vector<1x128xf32>
        %eq3A_234 = vector.broadcast %sub3A_233 : vector<1x128xf32> to vector<10x128xf32>
        %eq3A_235 = arith.cmpf oeq, %convert_element_type3A_230, %eq3A_234 : vector<10x128xf32>
        %convert_element_type3A_236 = arith.extui %eq3A_235 : vector<10x128xi1> to vector<10x128xi32>
        %convert_element_type3A_237 = arith.sitofp %convert_element_type3A_236 : vector<10x128xi32> to vector<10x128xf32>
        %eq3A_238 = vector.broadcast %broadcast_in_dim3A_228 : vector<1x128xf32> to vector<10x128xf32>
        %eq3A_239 = arith.cmpf oeq, %convert_element_type3A_230, %eq3A_238 : vector<10x128xf32>
        %convert_element_type3A_240 = arith.extui %eq3A_239 : vector<10x128xi1> to vector<10x128xi32>
        %convert_element_type3A_241 = arith.sitofp %convert_element_type3A_240 : vector<10x128xi32> to vector<10x128xf32>
        %mul3A_242 = arith.mulf %concatenate3A_204, %convert_element_type3A_237 : vector<10x128xf32>
        %reduce_sum3A_243 = arith.constant dense<0.000000e+00> : vector<128xf32>
        %reduce_sum3A_244 = vector.multi_reduction <add>, %mul3A_242, %reduce_sum3A_243 [0] : vector<10x128xf32> to vector<128xf32>
        %broadcast_in_dim3A_245 = vector.shape_cast %reduce_sum3A_244 : vector<128xf32> to vector<1x128xf32>
        %mul3A_246 = arith.mulf %concatenate3A_221, %convert_element_type3A_237 : vector<10x128xf32>
        %reduce_sum3A_247 = arith.constant dense<0.000000e+00> : vector<128xf32>
        %reduce_sum3A_248 = vector.multi_reduction <add>, %mul3A_246, %reduce_sum3A_247 [0] : vector<10x128xf32> to vector<128xf32>
        %broadcast_in_dim3A_249 = vector.shape_cast %reduce_sum3A_248 : vector<128xf32> to vector<1x128xf32>
        %mul3A_250 = arith.mulf %concatenate3A_204, %convert_element_type3A_241 : vector<10x128xf32>
        %reduce_sum3A_251 = arith.constant dense<0.000000e+00> : vector<128xf32>
        %reduce_sum3A_252 = vector.multi_reduction <add>, %mul3A_250, %reduce_sum3A_251 [0] : vector<10x128xf32> to vector<128xf32>
        %broadcast_in_dim3A_253 = vector.shape_cast %reduce_sum3A_252 : vector<128xf32> to vector<1x128xf32>
        %mul3A_254 = arith.mulf %concatenate3A_221, %convert_element_type3A_241 : vector<10x128xf32>
        %reduce_sum3A_255 = arith.constant dense<0.000000e+00> : vector<128xf32>
        %reduce_sum3A_256 = vector.multi_reduction <add>, %mul3A_254, %reduce_sum3A_255 [0] : vector<10x128xf32> to vector<128xf32>
        %broadcast_in_dim3A_257 = vector.shape_cast %reduce_sum3A_256 : vector<128xf32> to vector<1x128xf32>
        %swap3A_258 = arith.constant 0 : index
        %swap3A_259 = arith.constant 0 : index
        %swap3A_260 = vector.load %arg10[%swap3A_258, %swap3A_259] : memref<8x128xf32, #tpu.memory_space<vmem>>, vector<1x128xf32>
        tpu.vector_store %arg10[%swap3A_258, %swap3A_259], %broadcast_in_dim3A_245 {strides = array<i32>} : memref<8x128xf32, #tpu.memory_space<vmem>>, vector<1x128xf32>,
        %swap3A_261 = arith.constant 1 : index
        %swap3A_262 = arith.constant 0 : index
        %swap3A_263 = vector.load %arg10[%swap3A_261, %swap3A_262] : memref<8x128xf32, #tpu.memory_space<vmem>>, vector<1x128xf32>
        tpu.vector_store %arg10[%swap3A_261, %swap3A_262], %broadcast_in_dim3A_253 {strides = array<i32>} : memref<8x128xf32, #tpu.memory_space<vmem>>, vector<1x128xf32>,
        %swap3A_264 = arith.constant 2 : index
        %swap3A_265 = arith.constant 0 : index
        %swap3A_266 = vector.load %arg10[%swap3A_264, %swap3A_265] : memref<8x128xf32, #tpu.memory_space<vmem>>, vector<1x128xf32>
        tpu.vector_store %arg10[%swap3A_264, %swap3A_265], %broadcast_in_dim3A_249 {strides = array<i32>} : memref<8x128xf32, #tpu.memory_space<vmem>>, vector<1x128xf32>,
        %swap3A_267 = arith.constant 3 : index
        %swap3A_268 = arith.constant 0 : index
        %swap3A_269 = vector.load %arg10[%swap3A_267, %swap3A_268] : memref<8x128xf32, #tpu.memory_space<vmem>>, vector<1x128xf32>
        tpu.vector_store %arg10[%swap3A_267, %swap3A_268], %broadcast_in_dim3A_257 {strides = array<i32>} : memref<8x128xf32, #tpu.memory_space<vmem>>, vector<1x128xf32>,
        %sub3A_270 = arith.subf %broadcast_in_dim3A_253, %broadcast_in_dim3A_245 : vector<1x128xf32>
        %mul3A_271 = vector.broadcast %sub3A_270 : vector<1x128xf32> to vector<8x128xf32>
        %mul3A_272 = arith.mulf %mul3A_271, %mul3A_76 : vector<8x128xf32>
        %add3A_273 = vector.broadcast %broadcast_in_dim3A_245 : vector<1x128xf32> to vector<8x128xf32>
        %add3A_274 = arith.addf %add3A_273, %mul3A_272 : vector<8x128xf32>
        %swap3A_275 = arith.constant 0 : index
        %swap3A_276 = arith.constant 0 : index
        %swap3A_277 = vector.load %arg9[%swap3A_275, %swap3A_276] : memref<8x128xf32, #tpu.memory_space<vmem>>, vector<8x128xf32>
        tpu.vector_store %arg9[%swap3A_275, %swap3A_276], %add3A_274 {strides = array<i32>} : memref<8x128xf32, #tpu.memory_space<vmem>>, vector<8x128xf32>,
      } else {
      }
    } else {
    }
    %eq3A_101 = arith.constant 3 : i32
    %eq3A_102 = arith.cmpi eq, %arg0, %eq3A_101 : i32
    %convert_element_type3A_103 = arith.extui %eq3A_102 : i1 to i32
    %cond3A_104 = arith.constant 0 : i32
    %cond3A_105 = arith.cmpi ne, %convert_element_type3A_103, %cond3A_104 : i32
    scf.if %cond3A_105 {
      %eq3A_106 = arith.constant 0 : i32
      %eq3A_107 = arith.cmpi eq, %arg1, %eq3A_106 : i32
      %convert_element_type3A_108 = arith.extui %eq3A_107 : i1 to i32
      %cond3A_109 = arith.constant 0 : i32
      %cond3A_110 = arith.cmpi ne, %convert_element_type3A_108, %cond3A_109 : i32
      scf.if %cond3A_110 {
        %broadcast_in_dim3A_150 = arith.constant 0.000000e+00 : f32
        %broadcast_in_dim3A_151 = vector.broadcast %broadcast_in_dim3A_150 : f32 to vector<128x128xf32>
        %swap3A_152 = arith.constant 0 : index
        %swap3A_153 = arith.constant 0 : index
        %swap3A_154 = vector.load %arg12[%swap3A_152, %swap3A_153] : memref<128x128xf32, #tpu.memory_space<vmem>>, vector<128x128xf32>
        tpu.vector_store %arg12[%swap3A_152, %swap3A_153], %broadcast_in_dim3A_151 {strides = array<i32>} : memref<128x128xf32, #tpu.memory_space<vmem>>, vector<128x128xf32>,
        %broadcast_in_dim3A_155 = arith.constant 0.000000e+00 : f32
        %broadcast_in_dim3A_156 = vector.broadcast %broadcast_in_dim3A_155 : f32 to vector<128x128xf32>
        %swap3A_157 = arith.constant 0 : index
        %swap3A_158 = arith.constant 0 : index
        %swap3A_159 = vector.load %arg13[%swap3A_157, %swap3A_158] : memref<128x128xf32, #tpu.memory_space<vmem>>, vector<128x128xf32>
        tpu.vector_store %arg13[%swap3A_157, %swap3A_158], %broadcast_in_dim3A_156 {strides = array<i32>} : memref<128x128xf32, #tpu.memory_space<vmem>>, vector<128x128xf32>,
      } else {
      }
      %get3A_111 = arith.constant 0 : index
      %get3A_112 = arith.constant 0 : index
      %get3A_113 = vector.load %arg10[%get3A_111, %get3A_112] : memref<8x128xf32, #tpu.memory_space<vmem>>, vector<1x128xf32>
      %le3A = vector.broadcast %get3A_113 : vector<1x128xf32> to vector<10000x128xf32>
      %le3A_114 = arith.cmpf ole, %abs3A, %le3A : vector<10000x128xf32>
      %convert_element_type3A_115 = arith.extui %le3A_114 : vector<10000x128xi1> to vector<10000x128xi32>
      %convert_element_type3A_116 = arith.sitofp %convert_element_type3A_115 : vector<10000x128xi32> to vector<10000x128xf32>
      %get3A_117 = arith.constant 1 : index
      %get3A_118 = arith.constant 0 : index
      %get3A_119 = vector.load %arg10[%get3A_117, %get3A_118] : memref<8x128xf32, #tpu.memory_space<vmem>>, vector<1x128xf32>
      %le3A_120 = vector.broadcast %get3A_119 : vector<1x128xf32> to vector<10000x128xf32>
      %le3A_121 = arith.cmpf ole, %abs3A, %le3A_120 : vector<10000x128xf32>
      %convert_element_type3A_122 = arith.extui %le3A_121 : vector<10000x128xi1> to vector<10000x128xi32>
      %convert_element_type3A_123 = arith.sitofp %convert_element_type3A_122 : vector<10000x128xi32> to vector<10000x128xf32>
      %sub3A_124 = arith.subf %convert_element_type3A_123, %convert_element_type3A_116 : vector<10000x128xf32>
      %get3A_125 = arith.constant 0 : index
      %get3A_126 = arith.constant 0 : index
      %get3A_127 = vector.load %arg7[%get3A_125, %get3A_126] : memref<10000x128xf32, #tpu.memory_space<vmem>>, vector<10000x128xf32>
      %get3A_128 = arith.constant 0 : index
      %get3A_129 = arith.constant 0 : index
      %get3A_130 = vector.load %arg12[%get3A_128, %get3A_129] : memref<128x128xf32, #tpu.memory_space<vmem>>, vector<128x128xf32>
      %dot_general3A_131 = arith.constant dense<0.000000e+00> : vector<128x128xf32>
      %dot_general3A_132 = tpu.matmul %convert_element_type3A_116, %get3A_127, %dot_general3A_131 {dimension_numbers = #tpu.dot_dimension_numbers<[0], [0], [1], [1], [0, 1, 1, 1], [], []>, transpose_lhs_hint = false} : vector<10000x128xf32>, vector<10000x128xf32>, vector<128x128xf32> -> vector<128x128xf32>
      %add3A_133 = arith.addf %get3A_130, %dot_general3A_132 : vector<128x128xf32>
      %swap3A = arith.constant 0 : index
      %swap3A_134 = arith.constant 0 : index
      %swap3A_135 = vector.load %arg12[%swap3A, %swap3A_134] : memref<128x128xf32, #tpu.memory_space<vmem>>, vector<128x128xf32>
      tpu.vector_store %arg12[%swap3A, %swap3A_134], %add3A_133 {strides = array<i32>} : memref<128x128xf32, #tpu.memory_space<vmem>>, vector<128x128xf32>,
      %get3A_136 = arith.constant 0 : index
      %get3A_137 = arith.constant 0 : index
      %get3A_138 = vector.load %arg13[%get3A_136, %get3A_137] : memref<128x128xf32, #tpu.memory_space<vmem>>, vector<128x128xf32>
      %dot_general3A_139 = arith.constant dense<0.000000e+00> : vector<128x128xf32>
      %dot_general3A_140 = tpu.matmul %sub3A_124, %get3A_127, %dot_general3A_139 {dimension_numbers = #tpu.dot_dimension_numbers<[0], [0], [1], [1], [0, 1, 1, 1], [], []>, transpose_lhs_hint = false} : vector<10000x128xf32>, vector<10000x128xf32>, vector<128x128xf32> -> vector<128x128xf32>
      %add3A_141 = arith.addf %get3A_138, %dot_general3A_140 : vector<128x128xf32>
      %swap3A_142 = arith.constant 0 : index
      %swap3A_143 = arith.constant 0 : index
      %swap3A_144 = vector.load %arg13[%swap3A_142, %swap3A_143] : memref<128x128xf32, #tpu.memory_space<vmem>>, vector<128x128xf32>
      tpu.vector_store %arg13[%swap3A_142, %swap3A_143], %add3A_141 {strides = array<i32>} : memref<128x128xf32, #tpu.memory_space<vmem>>, vector<128x128xf32>,
      %eq3A_145 = arith.constant 24 : i32
      %eq3A_146 = arith.cmpi eq, %arg1, %eq3A_145 : i32
      %convert_element_type3A_147 = arith.extui %eq3A_146 : i1 to i32
      %cond3A_148 = arith.constant 0 : i32
      %cond3A_149 = arith.cmpi ne, %convert_element_type3A_147, %cond3A_148 : i32
      scf.if %cond3A_149 {
        %get3A_150 = arith.constant 2 : index
        %get3A_151 = arith.constant 0 : index
        %get3A_152 = vector.load %arg10[%get3A_150, %get3A_151] : memref<8x128xf32, #tpu.memory_space<vmem>>, vector<1x128xf32>
        %sub3A_153 = arith.constant 5.000000e+04 : f32
        %sub3A_154 = vector.broadcast %sub3A_153 : f32 to vector<1x128xf32>
        %sub3A_155 = arith.subf %sub3A_154, %get3A_152 : vector<1x128xf32>
        %get3A_156 = arith.constant 3 : index
        %get3A_157 = arith.constant 0 : index
        %get3A_158 = vector.load %arg10[%get3A_156, %get3A_157] : memref<8x128xf32, #tpu.memory_space<vmem>>, vector<1x128xf32>
        %get3A_159 = arith.constant 2 : index
        %get3A_160 = arith.constant 0 : index
        %get3A_161 = vector.load %arg10[%get3A_159, %get3A_160] : memref<8x128xf32, #tpu.memory_space<vmem>>, vector<1x128xf32>
        %sub3A_162 = arith.subf %get3A_158, %get3A_161 : vector<1x128xf32>
        %max3A = arith.constant 1.000000e+00 : f32
        %max3A_163 = vector.broadcast %max3A : f32 to vector<1x128xf32>
        %max3A_164 = arith.maximumf %sub3A_162, %max3A_163 : vector<1x128xf32>
        %div3A_165 = arith.divf %sub3A_155, %max3A_164 : vector<1x128xf32>
        %iota3A_166 = tpu.iota {dimensions = array<i32: 0>} : vector<128x128xi32>
        %iota3A_167 = tpu.iota {dimensions = array<i32: 1>} : vector<128x128xi32>
        %eq3A_168 = arith.cmpi eq, %iota3A_166, %iota3A_167 : vector<128x128xi32>
        %convert_element_type3A_169 = arith.extui %eq3A_168 : vector<128x128xi1> to vector<128x128xi32>
        %convert_element_type3A_170 = arith.sitofp %convert_element_type3A_169 : vector<128x128xi32> to vector<128x128xf32>
        %dot_general3A_171 = arith.constant dense<0.000000e+00> : vector<128x1xf32>
        %dot_general3A_172 = tpu.matmul %convert_element_type3A_170, %div3A_165, %dot_general3A_171 {dimension_numbers = #tpu.dot_dimension_numbers<[1], [1], [0], [0], [0, 0, 1, 0], [], []>, transpose_lhs_hint = false} : vector<128x128xf32>, vector<1x128xf32>, vector<128x1xf32> -> vector<128x1xf32>
        %get3A_173 = arith.constant 0 : index
        %get3A_174 = arith.constant 0 : index
        %get3A_175 = vector.load %arg12[%get3A_173, %get3A_174] : memref<128x128xf32, #tpu.memory_space<vmem>>, vector<128x128xf32>
        %get3A_176 = arith.constant 0 : index
        %get3A_177 = arith.constant 0 : index
        %get3A_178 = vector.load %arg13[%get3A_176, %get3A_177] : memref<128x128xf32, #tpu.memory_space<vmem>>, vector<128x128xf32>
        %mul3A_179 = vector.broadcast %dot_general3A_172 : vector<128x1xf32> to vector<128x128xf32>
        %mul3A_180 = arith.mulf %mul3A_179, %get3A_178 : vector<128x128xf32>
        %add3A_181 = arith.addf %get3A_175, %mul3A_180 : vector<128x128xf32>
        %broadcast_in_dim3A_182 = arith.constant 0.000000e+00 : f32
        %broadcast_in_dim3A_183 = vector.broadcast %broadcast_in_dim3A_182 : f32 to vector<32x32xf32>
        %slice3A = vector.extract_strided_slice %add3A_181 {offsets = [0, 0], sizes = [32, 32], strides = [1, 1]} : vector<128x128xf32> to vector<32x32xf32>
        %add3A_184 = arith.addf %broadcast_in_dim3A_183, %slice3A : vector<32x32xf32>
        %slice3A_185 = vector.extract_strided_slice %add3A_181 {offsets = [32, 32], sizes = [32, 32], strides = [1, 1]} : vector<128x128xf32> to vector<32x32xf32>
        %add3A_186 = arith.addf %add3A_184, %slice3A_185 : vector<32x32xf32>
        %slice3A_187 = vector.extract_strided_slice %add3A_181 {offsets = [64, 64], sizes = [32, 32], strides = [1, 1]} : vector<128x128xf32> to vector<32x32xf32>
        %add3A_188 = arith.addf %add3A_186, %slice3A_187 : vector<32x32xf32>
        %slice3A_189 = vector.extract_strided_slice %add3A_181 {offsets = [96, 96], sizes = [32, 32], strides = [1, 1]} : vector<128x128xf32> to vector<32x32xf32>
        %add3A_190 = arith.addf %add3A_188, %slice3A_189 : vector<32x32xf32>
        %broadcast_in_dim3A_191 = arith.constant 0.000000e+00 : f32
        %broadcast_in_dim3A_192 = vector.broadcast %broadcast_in_dim3A_191 : f32 to vector<32x1xf32>
        %get3A_193 = arith.constant 0 : index
        %get3A_194 = arith.constant 0 : index
        %get3A_195 = vector.load %arg6[%get3A_193, %get3A_194] : memref<32x128xf32, #tpu.memory_space<vmem>>, vector<32x32xf32>
        %mul3A_196 = arith.mulf %add3A_190, %get3A_195 : vector<32x32xf32>
        %reduce_sum3A = arith.constant dense<0.000000e+00> : vector<32xf32>
        %reduce_sum3A_197 = vector.multi_reduction <add>, %mul3A_196, %reduce_sum3A [1] : vector<32x32xf32> to vector<32xf32>
        %broadcast_in_dim3A_198 = vector.shape_cast %reduce_sum3A_197 : vector<32xf32> to vector<32x1xf32>
        %get3A_199 = arith.constant 0 : index
        %get3A_200 = arith.constant 1 : index
        %get3A_201 = vector.load %arg5[%get3A_199, %get3A_200] : memref<32x8xf32, #tpu.memory_space<vmem>>, vector<32x1xf32>
        %mul3A_202 = arith.mulf %get3A_201, %broadcast_in_dim3A_198 : vector<32x1xf32>
        %add3A_203 = arith.addf %broadcast_in_dim3A_192, %mul3A_202 : vector<32x1xf32>
        %get3A_204 = arith.constant 0 : index
        %get3A_205 = arith.constant 32 : index
        %get3A_206 = vector.load %arg6[%get3A_204, %get3A_205] : memref<32x128xf32, #tpu.memory_space<vmem>>, vector<32x32xf32>
        %mul3A_207 = arith.mulf %add3A_190, %get3A_206 : vector<32x32xf32>
        %reduce_sum3A_208 = arith.constant dense<0.000000e+00> : vector<32xf32>
        %reduce_sum3A_209 = vector.multi_reduction <add>, %mul3A_207, %reduce_sum3A_208 [1] : vector<32x32xf32> to vector<32xf32>
        %broadcast_in_dim3A_210 = vector.shape_cast %reduce_sum3A_209 : vector<32xf32> to vector<32x1xf32>
        %get3A_211 = arith.constant 0 : index
        %get3A_212 = arith.constant 2 : index
        %get3A_213 = vector.load %arg5[%get3A_211, %get3A_212] : memref<32x8xf32, #tpu.memory_space<vmem>>, vector<32x1xf32>
        %mul3A_214 = arith.mulf %get3A_213, %broadcast_in_dim3A_210 : vector<32x1xf32>
        %add3A_215 = arith.addf %add3A_203, %mul3A_214 : vector<32x1xf32>
        %get3A_216 = arith.constant 0 : index
        %get3A_217 = arith.constant 64 : index
        %get3A_218 = vector.load %arg6[%get3A_216, %get3A_217] : memref<32x128xf32, #tpu.memory_space<vmem>>, vector<32x32xf32>
        %mul3A_219 = arith.mulf %add3A_190, %get3A_218 : vector<32x32xf32>
        %reduce_sum3A_220 = arith.constant dense<0.000000e+00> : vector<32xf32>
        %reduce_sum3A_221 = vector.multi_reduction <add>, %mul3A_219, %reduce_sum3A_220 [1] : vector<32x32xf32> to vector<32xf32>
        %broadcast_in_dim3A_222 = vector.shape_cast %reduce_sum3A_221 : vector<32xf32> to vector<32x1xf32>
        %get3A_223 = arith.constant 0 : index
        %get3A_224 = arith.constant 3 : index
        %get3A_225 = vector.load %arg5[%get3A_223, %get3A_224] : memref<32x8xf32, #tpu.memory_space<vmem>>, vector<32x1xf32>
        %mul3A_226 = arith.mulf %get3A_225, %broadcast_in_dim3A_222 : vector<32x1xf32>
        %add3A_227 = arith.addf %add3A_215, %mul3A_226 : vector<32x1xf32>
        %get3A_228 = arith.constant 0 : index
        %get3A_229 = arith.constant 96 : index
        %get3A_230 = vector.load %arg6[%get3A_228, %get3A_229] : memref<32x128xf32, #tpu.memory_space<vmem>>, vector<32x32xf32>
        %mul3A_231 = arith.mulf %add3A_190, %get3A_230 : vector<32x32xf32>
        %reduce_sum3A_232 = arith.constant dense<0.000000e+00> : vector<32xf32>
        %reduce_sum3A_233 = vector.multi_reduction <add>, %mul3A_231, %reduce_sum3A_232 [1] : vector<32x32xf32> to vector<32xf32>
        %broadcast_in_dim3A_234 = vector.shape_cast %reduce_sum3A_233 : vector<32xf32> to vector<32x1xf32>
        %get3A_235 = arith.constant 0 : index
        %get3A_236 = arith.constant 4 : index
        %get3A_237 = vector.load %arg5[%get3A_235, %get3A_236] : memref<32x8xf32, #tpu.memory_space<vmem>>, vector<32x1xf32>
        %mul3A_238 = arith.mulf %get3A_237, %broadcast_in_dim3A_234 : vector<32x1xf32>
        %add3A_239 = arith.addf %add3A_227, %mul3A_238 : vector<32x1xf32>
        %mul3A_240 = arith.constant 2.000000e-05 : f32
        %mul3A_241 = vector.broadcast %mul3A_240 : f32 to vector<32x1xf32>
        %mul3A_242 = arith.mulf %add3A_239, %mul3A_241 : vector<32x1xf32>
        %broadcast_in_dim3A_243 = vector.shape_cast %mul3A_242 : vector<32x1xf32> to vector<32x1xf32>
        %broadcast_in_dim3A_244 = vector.broadcast %broadcast_in_dim3A_243 : vector<32x1xf32> to vector<32x8xf32>
        %swap3A_245 = arith.constant 0 : index
        %swap3A_246 = arith.constant 0 : index
        %swap3A_247 = vector.load %arg8[%swap3A_245, %swap3A_246] : memref<32x8xf32, #tpu.memory_space<vmem>>, vector<32x8xf32>
        tpu.vector_store %arg8[%swap3A_245, %swap3A_246], %broadcast_in_dim3A_244 {strides = array<i32>} : memref<32x8xf32, #tpu.memory_space<vmem>>, vector<32x8xf32>,
      } else {
      }
    } else {
    }
    return
  }
  func.func @transform_0(%arg0: i32, %arg1: i32) -> (i32, i32) {
    %c0_i32 = arith.constant 0 : i32
    %c0_i32_0 = arith.constant 0 : i32
    %c0_i32_1 = arith.constant 0 : i32
    return %c0_i32, %c0_i32_0 : i32, i32
  }
  func.func @transform_1(%arg0: i32, %arg1: i32) -> (i32, i32) {
    %c0_i32 = arith.constant 0 : i32
    %c0_i32_0 = arith.constant 0 : i32
    %c0_i32_1 = arith.constant 0 : i32
    return %c0_i32, %c0_i32_0 : i32, i32
  }
  func.func @transform_2(%arg0: i32, %arg1: i32) -> (i32, i32) {
    %c0_i32 = arith.constant 0 : i32
    %c0_i32_0 = arith.constant 0 : i32
    %c0_i32_1 = arith.constant 0 : i32
    return %c0_i32, %c0_i32_0 : i32, i32
  }
  func.func @transform_3(%arg0: i32, %arg1: i32) -> (i32, i32) {
    %c0_i32 = arith.constant 0 : i32
    %c0_i32_0 = arith.constant 0 : i32
    %c0_i32_1 = arith.constant 0 : i32
    return %c0_i32, %c0_i32_0 : i32, i32
  }
  func.func @transform_4(%arg0: i32, %arg1: i32) -> (i32, i32) {
    %c0_i32 = arith.constant 0 : i32
    %c0_i32_0 = arith.constant 0 : i32
    %c0_i32_1 = arith.constant 0 : i32
    return %c0_i32, %c0_i32_0 : i32, i32
  }
  func.func @transform_5(%arg0: i32, %arg1: i32) -> (i32, i32) {
    %c0_i32 = arith.constant 0 : i32
    %c0_i32_0 = arith.constant 0 : i32
    return %arg1, %c0_i32 : i32, i32
  }
  func.func @transform_6(%arg0: i32, %arg1: i32) -> (i32, i32) {
    %c0_i32 = arith.constant 0 : i32
    %c0_i32_0 = arith.constant 0 : i32
    %c0_i32_1 = arith.constant 0 : i32
    return %c0_i32, %c0_i32_0 : i32, i32
  }
}

</mosaic_0001>

<sc_bundles>
// kernel: kernel.4.cloned.1.call-start
scs
__scs_entry_jumppad:
0x0: {  	(pc) =	sbr.rel $0x88, $3  }
0x1: {  	(tag) =	ssettag $0x0;
	lr =	simm.s32 $0x1  }
0x2: {  	[smem:$0x3F9D] =	sst lr;
	_ =	strace $0xD0000000  }
0x3: {  	_ = 	snop  }
0x4: {  	_ = 	snop  }
0x5: {  	_ = 	snop  }
0x6: {  	_ = 	snop  }
0x7: {  	_ = 	snop  }
__scs_overlays_trampoline_lowered:
0x8: {  	[smem:$0x3FAC] =	sst s0  }
0x9: {  	[smem:$0x3FAD] =	sst s1  }
0xa: {  	[smem:$0x3FAE] =	sst s2  }
0xb: {  	[smem:$0x3FAF] =	sst s3  }
0xc: {  	[smem:$0x3FB0] =	sst s4  }
0xd: {  	[smem:$0x3FB1] =	sst s5  }
0xe: {  	[smem:$0x3FB2] =	sst s6  }
0xf: {  	[smem:$0x3FB3] =	sst s7  }
0x10: {  	[smem:$0x3FB4] =	sst s8  }
0x11: {  	[smem:$0x3FB5] =	sst s9;
	s0 =	simm.s32 @!p0 $0x0  }
0x12: {  	s1 =	sld [smem:$0x3F9B];
	s0 =	simm.s32 @p0 $0x1  }
0x13: {  	[smem:$0x3FB6] =	sst s0;
	s0 =	simm.s32 @!p1 $0x0  }
0x14: {  	s2 =	sld [smem:$0x3F9A];
	s0 =	simm.s32 @p1 $0x1  }
0x15: {  	[smem:$0x3FB7] =	sst s0;
	s0 =	simm.s32 @!p2 $0x0  }
0x16: {  	s3 =	sld [smem:$0x3FDB];
	s0 =	simm.s32 @p2 $0x1  }
0x17: {  	s4 =	simm.s32 $0x1BF5;
	[smem:$0x3FB9] =	sst s0  }
0x18: {  	s0 =	sld [smem:$0x3F9C];
	_ =	swait.ge [sflag:s4], $0x0  }
0x19: {  	s7 =	sld [smem:$0x3F9D]  }
0x1a: {  	s8 =	sadd.s32 $0xFFFFE003, lr  }
0x1b: {  	s9 =	sadd.s32 $0xFFFFFEF7, lr;
	s5 =	simm.s32 $0xFFFFFFFF;
	p2 =	slt.u32 s8, $0xFFFFF086  }
0x1c: {  	p1 =	slt.u32 s9, $0xF7A;
	s5 =	simm.s32 @!p2 $0x0  }
0x1d: {  	s5 =	simm.s32 @p1 $0x1;
	p0 =	seq.s32 s7, s2  }
0x1e: {  	s7 =	smul.u32 @!p0 $0xF7A, s2;
	p2 =	seq.s32 @!p0 s5, $0x0  }
0x1f: {  	s9 =	smul.u32 $0xF7A, s1;
	s8 =	simm.s32 @!p0 $0x1BF5;
	p2 =	por !p2, p0  }
0x20: {  	[sflag:s8] =	ssyncset.s32 @!p0 $0xFFFFF086;
	s6 =	sadd.s32 @!p0 s3, s7;
	s7 =	simm.s32 @!p0 $0x108  }
0x21: {  	s3 =	sadd.s32 s3, s9;
	s6 =	sadd.s32 @!p0 $0x88, s6;
	s7 =	simm.s32 @p2 $0x1082  }
0x22: {  	[simem:s7], [sflag:s8] =	dma.local @!p0 [hbm:s6], $0xF7A  }
0x23: {  	s9 =	sor.u32 $0xD0000000, s2;
	s6 =	simm.s32 $0x108;
	_ =	swait.ge @!p0 [sflag:s8], $0x0  }
0x24: {  	s3 =	sadd.s32 $0x88, s3;
	s6 =	simm.s32 @!p1 $0x1082;
	[sflag:s4] =	ssyncset.s32 $0xFFFFF086  }
0x25: {  	[simem:s6], [sflag:s4] =	dma.local [hbm:s3], $0xF7A  }
0x26: {  	[smem:$0x3F9D] =	sst s1;
	(tag) =	ssettag s2;
	_ =	strace s9  }
0x27: {  	s1 =	sld [smem:$0x3FAD]  }
0x28: {  	s2 =	sld [smem:$0x3FAE]  }
0x29: {  	s4 =	sld [smem:$0x3FB0]  }
0x2a: {  	p0 =	seq.s32 s5, $0x0;
	s5 =	sld [smem:$0x3FB1]  }
0x2b: {  	s6 =	sld [smem:$0x3FB2]  }
0x2c: {  	s7 =	sld [smem:$0x3FB3]  }
0x2d: {  	s3 =	simm.s32 $0x108;
	s8 =	sld [smem:$0x3FB4]  }
0x2e: {  	s3 =	simm.s32 @!p0 $0x1082;
	s9 =	sld [smem:$0x3FB5]  }
0x2f: {  	lr =	sadd.s32 s0, s3;
	s0 =	sld [smem:$0x3FAC]  }
0x30: {  	s3 =	sld [smem:$0x3FAF]  }
0x31: {  	[smem:$0x3FB8] =	sst s10  }
0x32: {  	s10 =	sld [smem:$0x3FB6];
	_ =	sdelay $0x3  }
0x33: {  	p0 =	seq.s32 s10, $0x1;
	s10 =	sld [smem:$0x3FB8];
	_ =	sdelay $0x3  }
0x34: {  	[smem:$0x3FB8] =	sst s10  }
0x35: {  	s10 =	sld [smem:$0x3FB7];
	_ =	sdelay $0x3  }
0x36: {  	p1 =	seq.s32 s10, $0x1;
	s10 =	sld [smem:$0x3FB8];
	_ =	sdelay $0x3  }
0x37: {  	[smem:$0x3FB8] =	sst s10  }
0x38: {  	s10 =	sld [smem:$0x3FB9]  }
0x39: {  	_ = 	snop;
	(pc) =	sbr.ind lr, $3  }
0x3a: {  	_ = 	snop  }
0x3b: {  	_ = 	snop  }
0x3c: {  	p2 =	seq.s32 s10, $0x1;
	s10 =	sld [smem:$0x3FB8]  }
0x3d: {  	_ =	shalt  }
0x3e: {  	_ =	shalt  }
0x3f: {  	_ =	shalt  }
0x40: {  	_ =	shalt  }
0x41: {  	_ =	shalt  }
0x42: {  	_ =	shalt  }
0x43: {  	_ =	shalt  }
0x44: {  	_ =	shalt  }
0x45: {  	_ =	shalt  }
0x46: {  	_ =	shalt  }
0x47: {  	_ =	shalt  }
0x48: {  	_ =	shalt  }
0x49: {  	_ =	shalt  }
0x4a: {  	_ =	shalt  }
0x4b: {  	_ =	shalt  }
0x4c: {  	_ =	shalt  }
0x4d: {  	_ =	shalt  }
0x4e: {  	_ =	shalt  }
0x4f: {  	_ =	shalt  }
0x50: {  	_ =	shalt  }
0x51: {  	_ =	shalt  }
0x52: {  	_ =	shalt  }
0x53: {  	_ =	shalt  }
0x54: {  	_ =	shalt  }
0x55: {  	_ =	shalt  }
0x56: {  	_ =	shalt  }
0x57: {  	_ =	shalt  }
0x58: {  	_ =	shalt  }
0x59: {  	_ =	shalt  }
0x5a: {  	_ =	shalt  }
0x5b: {  	_ =	shalt  }
0x5c: {  	_ =	shalt  }
0x5d: {  	_ =	shalt  }
0x5e: {  	_ =	shalt  }
0x5f: {  	_ =	shalt  }
0x60: {  	_ =	shalt  }
0x61: {  	_ =	shalt  }
0x62: {  	_ =	shalt  }
0x63: {  	_ =	shalt  }
0x64: {  	_ =	shalt  }
0x65: {  	_ =	shalt  }
0x66: {  	_ =	shalt  }
0x67: {  	_ =	shalt  }
0x68: {  	_ =	shalt  }
0x69: {  	_ =	shalt  }
0x6a: {  	_ =	shalt  }
0x6b: {  	_ =	shalt  }
0x6c: {  	_ =	shalt  }
0x6d: {  	_ =	shalt  }
0x6e: {  	_ =	shalt  }
0x6f: {  	_ =	shalt  }
0x70: {  	_ =	shalt  }
0x71: {  	_ =	shalt  }
0x72: {  	_ =	shalt  }
0x73: {  	_ =	shalt  }
0x74: {  	_ =	shalt  }
0x75: {  	_ =	shalt  }
0x76: {  	_ =	shalt  }
0x77: {  	_ =	shalt  }
0x78: {  	_ =	shalt  }
0x79: {  	_ =	shalt  }
0x7a: {  	_ =	shalt  }
0x7b: {  	_ =	shalt  }
0x7c: {  	_ =	shalt  }
0x7d: {  	_ =	shalt  }
0x7e: {  	_ =	shalt  }
0x7f: {  	_ =	shalt  }
0x80: {  	_ =	shalt  }
0x81: {  	_ =	shalt  }
0x82: {  	_ =	shalt  }
0x83: {  	_ =	shalt  }
0x84: {  	_ =	shalt  }
0x85: {  	_ =	shalt  }
0x86: {  	_ =	shalt  }
0x87: {  	_ =	shalt  }
.Lfunc_end0:
.L_simem_size_0:
called_computation_lowered:
.L_overlay_start_0:
0x88: {  	s2 =	sld [smem:$0x3FD9]  }
0x89: {  	s3 =	sld [smem:$0x3FFE];
	_ =	sdelay $0x1  }
0x8a: {  	s1 =	srdreg.scid  }
0x8b: {  	s0 =	sand.u32 $0x1, s1  }
0x8c: {  	s16 =	sshll.u32 s0, $0xA;
	s2 =	sadd.s32 s3, s2  }
0x8d: {  	s2 =	sadd.s32 s2, s16  }
0x8e: {  	[smem:$0x3FC4] =	sst s2  }
0x8f: {  	_ = 	snop  }
0x90: {  	(tm) =	ssettm $0x1  }
0x91: {  	s17 =	sld [smem:$0x3FFB];
	_ =	sdelay $0x3  }
0x92: {  	_ =	strace s17  }
0x93: {  	s2 =	sld [smem:$0x3FFC];
	_ =	sdelay $0x3  }
0x94: {  	_ =	strace s2  }
0x95: {  	s2 =	sld [smem:$0x3FFD];
	_ =	sdelay $0x3  }
0x96: {  	_ =	strace s2  }
0x97: {  	_ =	strace $0x8FFFFFFF  }
0x98: {  	s18 =	sld [smem:$0x3FDB];
	_ =	sdelay $0x1  }
0x99: {  	s19 =	simm.s32 $_scs_section_size  }
0x9a: {  	s4 =	simm.s32 $_size__tile_overlayer_lowered;
	s5 =	simm.s32 $_tile_overlayer_lowered  }
0x9b: {  	s22 =	simm.s32 $0x1BFF;
	s21 =	sshll.u32 s5, $0x1;
	s2 =	sadd.s32 s19, s18  }
0x9c: {  	s6 =	simm.s32 $0x0;
	s20 =	sshll.u32 s4, $0x1;
	s4 =	sadd.s32 s21, s2  }
0x9d: {  	[timem:s6], [sflag:s22] =	dma.local [hbm:s4], s20  }
0x9e: {  	_ =	swait.ge [sflag:s22], s20  }
0x9f: {  	s3 =	ssub.s32 $0x0, s20;
	[sflag:s22] =	ssyncset.done $0x0  }
0xa0: {  	[sflag:s22] =	ssyncadd.s32 s3;
	_ =	sdelay $0x1  }
0xa1: {  	s23 =	simm.s32 $0x1B8B  }
0xa2: {  	_ =	swait.ge [sflag:s23], $0x1  }
0xa3: {  	[sflag:s23] =	ssyncset.done $0x0  }
0xa4: {  	s25 =	simm.s32 $0x1B8E;
	s24 =	sld [smem:$0x3FFE];
	[sflag:s23] =	ssyncadd.s32 $0xFFFFFFFF  }
0xa5: {  	s26 =	simm.s32 $execute0_lowered;
	[smem:$0x3FD2] =	sst s25  }
0xa6: {  	s4 =	sshll.u32 s26, $0x1;
	_ =	strace $0x80000046;
	[dreg:$0x1] =	wrdreg $0xFFFFFFFF  }
0xa7: {  	s28 =	simm.s32 $_size_execute0_lowered;
	s2 =	sadd.s32 s2, s4;
	[dreg:$0x0] =	wrdreg $0x0  }
0xa8: {  	s4 =	sshll.u32 s28, $0x1;
	[dreg:$0x2] =	wrdreg s2  }
0xa9: {  	[dreg:$0x3] =	wrdreg s4  }
0xaa: {  	[dreg:$0x4] =	wrdreg $0xC0  }
0xab: {  	_ =	task [dreg:s6], $0x5FFFF  }
0xac: {  	[dreg:$0x1] =	wrdreg $0xFFFFFFFF  }
0xad: {  	[dreg:$0x0] =	wrdreg $0x60  }
0xae: {  	[dreg:$0x2] =	wrdreg s24  }
0xaf: {  	[dreg:$0x3] =	wrdreg $0x9  }
0xb0: {  	_ =	task.clear_ibuf [dreg:s6], $0x4FFFF;
	_ =	strace $0x90000046  }
0xb1: {  	s29 =	simm.s32 $0x9;
	_ =	strace $0x80000048  }
0xb2: {  	_ =	swait.ge [sflag:s29], $0x1  }
0xb3: {  	[sflag:s29] =	ssyncadd.s32 $0xFFFFFFFF  }
0xb4: {  	_ =	strace $0x90000048  }
0xb5: {  	_ =	sfence  }
0xb6: {  	s30 =	sld [smem:$0x0];
	_ =	sdelay $0x2  }
0xb7: {  	s31 =	sshll.u32 s1, $0xD;
	s1 =	sshrl.u32 s1, $0x2  }
0xb8: {  	s3 =	sand.u32 $0x4000, s31;
	s1 =	sadd.s32 s1, s30  }
0xb9: {  	s0 =	sor.u32 s3, s0;
	s1 =	sshll.u32 s1, $0x11  }
0xba: {  	s0 =	sor.u32 s1, s0  }
0xbb: {  	s0 =	sadd.s32 $0x8F2B, s0  }
0xbc: {  	[sflag:s0] =	ssyncadd.remote.s32 $0x1  }
0xbd: {  	_ =	sfence.sel $0xFFFF  }
0xbe: {  	[dreg:$0x0] =	wrdreg $0xFFFFFFFF;
	(pc) =	sbr.abs _section_cstart, $3  }
0xbf: {  	[dreg:$0x1] =	wrdreg $0xFFFFFFFF  }
0xc0: {  	_ =	task.clear_ibuf [dreg:s6], $0x2FFFF;
	_ =	strace $0x9FFFFFFF  }
0xc1: {  	(tm) =	ssettm $0x7FFFFFFF  }
tec
execute0_lowered:
.L_overlay_start_1:
0x0: {  	(tag) =	ssettag $0x1  }
0x1: {  	s0 =	srdreg.scid  }
0x2: {  	s6 =	sand.u32 $0x1, s0;
	s0 =	stileid.u32  }
0x3: {  	s3 =	sshll.u32 s0, $0x1;
	s4 =	ssub.s32 $0x0, s6  }
0x4: {  	p0 =	sne.s32 s3, s4  }
.Ltmp0:
0x5: {  	_ = 	snop;
	(pc) =	sbr.rel @p0 .LBB2_4-.Ltmp0, $3  }
0x6: {  	_ =	sdelay $0x1  }
0x7: {  	s2 =	rddreg [dreg:$0x0]  }
0x8: {  	s1 =	rddreg [dreg:$0x1];
	_ =	strace $0x80000047  }
0x9: {  	s4 =	simm.s32 $0x0  }
0xa: {  	s3 =	simm.s32 $0x2;
	s5 =	sadd.s32 $0x186C00, s2;
	s9 =	ssub.s32 $0x2, s6  }
0xb: {  	[tilespmem:s4], [sflag:$0x2] =	stream.linear.gather [hbm4b:s2+s4], $0x80, $0x38;
	[tilespmem:$0x1080] =	vst v63  }
0xc: {  	s6 =	simm.s32 $0x20;
	s10 =	sshrl.u32 s9, $0x1;
	_ =	swait.ge [sflag:s3], $0x80  }
0xd: {  	s7 =	simm.s32 $0x80;
	s10 =	ssub.s32 s9, s10;
	[sflag:s3] =	ssyncset.done $0x0  }
0xe: {  	s8 =	simm.s32 $0x1;
	s10 =	smax.u32 s10, $0x1;
	[sflag:s3] =	ssyncadd.s32 $0xFFFFFF80  }
0xf: {  	[tilespmem:s7], [sflag:$0x1] =	stream.indirect.gather [hbm4b:s5+s6], $0x80, s4, s6, $0xb8;
	[tilespmem:$0x1080] =	vst v63  }
0x10: {  	p0 =	sne.s32 s10, $0x1;
	_ =	swait.ge [sflag:s8], $0x1000  }
.Ltmp1:
0x11: {  	[sflag:s8] =	ssyncset.done $0x0;
	(pc) =	sbr.rel @!p0 .LBB2_3-.Ltmp1, $4  }
0x12: {  	s9 =	sadd.s32 $0x200, s2;
	[sflag:s8] =	ssyncadd.s32 $0xFFFFF000  }
0x13: {  	[hbm4b:s9+s4] =	stream.linear.scatter [tilespmem:s7], [sflag:$0x2], $0x1000, $0x38;
	[tilespmem:$0x1080] =	vst v63  }
0x14: {  	_ =	swait.ge [sflag:s3], $0x1000  }
0x15: {  	s10 =	sadd.s32 $0xFFFFFFFF, s10;
	[sflag:s3] =	ssyncset.done $0x0  }
.LBB2_2:
0x16: {  	p0 =	sne.s32 s10, $0x1;
	s10 =	sadd.s32 $0xFFFFFFFF, s10;
	[sflag:s3] =	ssyncadd.s32 $0xFFFFF000  }
0x17: {  	[tilespmem:s4], [sflag:$0x2] =	stream.linear.gather [hbm4b:s2+s4], $0x80, $0x38;
	[tilespmem:$0x1080] =	vst v63  }
0x18: {  	_ =	swait.ge [sflag:s3], $0x80  }
0x19: {  	[sflag:s3] =	ssyncset.done $0x0  }
0x1a: {  	[sflag:s3] =	ssyncadd.s32 $0xFFFFFF80  }
0x1b: {  	[tilespmem:s7], [sflag:$0x1] =	stream.indirect.gather [hbm4b:s5+s6], $0x80, s4, s6, $0xb8;
	[tilespmem:$0x1080] =	vst v63  }
0x1c: {  	_ =	swait.ge [sflag:s8], $0x1000  }
.Ltmp2:
0x1d: {  	[sflag:s8] =	ssyncset.done $0x0;
	(pc) =	sbr.rel @p0 .LBB2_2-.Ltmp2, $4  }
0x1e: {  	[sflag:s8] =	ssyncadd.s32 $0xFFFFF000  }
0x1f: {  	[hbm4b:s9+s4] =	stream.linear.scatter [tilespmem:s7], [sflag:$0x2], $0x1000, $0x38;
	[tilespmem:$0x1080] =	vst v63  }
0x20: {  	_ =	swait.ge [sflag:s3], $0x1000  }
0x21: {  	[sflag:s3] =	ssyncset.done $0x0  }
.LBB2_3:
0x22: {  	[sflag:s3] =	ssyncadd.s32 $0xFFFFF000  }
.LBB2_4:
0x23: {  	_ =	sfence.sel $0x180000  }
0x24: {  	[bflag:$0x0] =	sbarrier.arrive $0xFFFF  }
0x25: {  	p0 =	sne.s32 s0, $0x0;
	_ =	strace $0x90000047  }
0x26: {  	s0 =	sadd.s32 @!p0 $0x100000, s1;
	[bflag:$0x2] =	sbarrier.arrive $0xFFFF  }
0x27: {  	[sflag:s0] =	ssyncadd.tile.s32 @!p0 $0x1;
	_ =	shalt  }
.Lfunc_end2:
_tile_overlayer_lowered:
.L_overlay_start_2:
0x28: {  	(tag) =	ssettag $0x2  }
0x29: {  	s0 =	rddreg [dreg:$0x0];
	s2 =	stileid.u32  }
0x2a: {  	s1 =	rddreg [dreg:$0x1];
	p0 =	sne.s32 s2, $0x0  }
0x2b: {  	s3 =	rddreg [dreg:$0x2];
	[bflag:$0x3] =	sbarrier.arrive $0xFFFF;
	s2 =	simm.s32 @!p0 $0x1C02  }
0x2c: {  	[timem:s3], [sflag:s2] =	dma.local @!p0 [hbm:s0], s1  }
0x2d: {  	s0 =	simm.s32 @!p0 $0x2  }
0x2e: {  	_ =	swait.ge @!p0 [sflag:s0], s1  }
0x2f: {  	s1 =	ssub.s32 @!p0 $0x0, s1;
	[sflag:s0] =	ssyncset.done @!p0 $0x0  }
0x30: {  	[sflag:s0] =	ssyncadd.s32 @!p0 s1  }
0x31: {  	[bflag:$0x3] =	sbarrier.arrive $0xFFFF  }
0x32: {  	_ =	shalt  }

</sc_bundles>
